<compile_context>
chip_gen: v7x
topology: tpu7x:2x2x1
jax: 0.10.2.dev20260603
libtpu: 0.0.44.dev20260713+nightly
codegen_flags: <defaults>
</compile_context>

<pallas_src>
import functools

import jax
import jax.numpy as jnp
from jax import lax
from jax.experimental import pallas as pl
from jax.experimental.pallas import tpu as pltpu
from jax.experimental.pallas import tpu_sc as plsc

B = 16384
D = 64
L = 16
NC, NS = 2, 16
NW = NC * NS
BPW = B // NW
GCH = 128
NCHUNK = BPW // GCH
NROWS = 1000000
TBLKC = 16384
TSTEPS = -(-NROWS // TBLKC)


def _tc_scan_body(u_ref, i_ref, w2_ref, su_ref, si_ref):
    w2 = w2_ref[...]
    ru = lax.dot_general(w2, u_ref[...], (((1,), (0,)), ((), ())),
                         preferred_element_type=jnp.float32)
    ri = lax.dot_general(w2, i_ref[...], (((1,), (0,)), ((), ())),
                         preferred_element_type=jnp.float32)
    su_ref[...] = ru[0]
    si_ref[...] = ri[1]


def _tc_scan(ut, it, w2):
    return pl.pallas_call(
        _tc_scan_body,
        grid=(TSTEPS,),
        in_specs=[
            pl.BlockSpec((D, TBLKC), lambda i: (0, i)),
            pl.BlockSpec((D, TBLKC), lambda i: (0, i)),
            pl.BlockSpec((2, D), lambda i: (0, 0)),
        ],
        out_specs=[
            pl.BlockSpec((TBLKC,), lambda i: (i,)),
            pl.BlockSpec((TBLKC,), lambda i: (i,)),
        ],
        out_shape=[
            jax.ShapeDtypeStruct((NROWS,), jnp.float32),
            jax.ShapeDtypeStruct((NROWS,), jnp.float32),
        ],
    )(ut, it, w2)


def _sc_gather_impl(su_hbm, si_hbm, tx_hbm, bias_hbm, out_hbm,
                    uidx_v, iidx_v, ubuf, ibuf, outv, bv, sem):
    wid = lax.axis_index("s") * NC + lax.axis_index("c")
    base = wid * BPW

    for j in range(NCHUNK):
        pltpu.sync_copy(tx_hbm.at[0, pl.ds(base + j * GCH, GCH)],
                        uidx_v.at[j])
        pltpu.sync_copy(tx_hbm.at[1, pl.ds(base + j * GCH, GCH)],
                        iidx_v.at[j])
    pltpu.sync_copy(bias_hbm, bv)

    copies = []
    for j in range(NCHUNK):
        copies.append(pltpu.async_copy(
            su_hbm.at[uidx_v.at[j]], ubuf.at[pl.ds(j * GCH, GCH)], sem))
        copies.append(pltpu.async_copy(
            si_hbm.at[iidx_v.at[j]], ibuf.at[pl.ds(j * GCH, GCH)], sem))
    for c in copies:
        c.wait()

    bias = bv[...]
    for k in range(BPW // L):
        outv[pl.ds(k * L, L)] = (
            ubuf[pl.ds(k * L, L)] + ibuf[pl.ds(k * L, L)] + bias)

    pltpu.sync_copy(outv, out_hbm.at[pl.ds(base, BPW)])


@functools.cache
def _build_sc_gather():
    mesh = plsc.VectorSubcoreMesh(
        core_axis_name="c", subcore_axis_name="s",
        num_cores=NC, num_subcores=NS,
    )
    return pl.kernel(
        _sc_gather_impl,
        out_type=jax.ShapeDtypeStruct((B,), jnp.float32),
        mesh=mesh,
        scratch_types=[
            pltpu.VMEM((NCHUNK, GCH), jnp.int32),
            pltpu.VMEM((NCHUNK, GCH), jnp.int32),
            pltpu.VMEM((BPW,), jnp.float32),
            pltpu.VMEM((BPW,), jnp.float32),
            pltpu.VMEM((BPW,), jnp.float32),
            pltpu.VMEM((L,), jnp.float32),
            pltpu.SemaphoreType.DMA,
        ],
        compiler_params=pltpu.CompilerParams(use_tc_tiling_on_sc=False),
    )


def kernel(train_x, u_emb, i_emb, W, b):
    w2 = W.reshape(2, D).astype(jnp.float32)
    bias16 = jnp.full((L,), b.reshape(-1)[0], jnp.float32)
    su, si = _tc_scan(u_emb.T, i_emb.T, w2)
    return _build_sc_gather()(su, si, train_x.T, bias16)

# --- scband reference (transcript-rebuilt; emitter-appended) ---
"""Pipeline reference for scband-emb-classifier-27719718928487 (READ-ONLY COPY).

The authoritative reference and input builder live on the scoring server;
editing this copy changes nothing except your own understanding.
"""

import jax, jax.numpy as jnp
import numpy as np

NUM_USERS = 1000000
NUM_ITEMS = 1000000
EMB_DIM = 64
BATCH = 16384

def setup_inputs(seed: int = 0) -> dict:
    key = jax.random.key(seed)
    k1, k2, k3, k4 = jax.random.split(key, 4)
    train_x = jax.random.randint(k1, (BATCH, 2), 0, NUM_USERS, dtype=jnp.int32)
    # embeddings as loaded from disk, then divided by 4.0 as in the torch module
    u_emb = jax.random.normal(k2, (NUM_USERS, EMB_DIM), dtype=jnp.float32) / 4.0
    i_emb = jax.random.normal(k3, (NUM_ITEMS, EMB_DIM), dtype=jnp.float32) / 4.0
    # linear classifier: ld = 64 + 64 = 128 -> 1
    W = jax.random.normal(k4, (1, 2 * EMB_DIM), dtype=jnp.float32) * (1.0 / np.sqrt(2 * EMB_DIM))
    b = jnp.zeros((1,), dtype=jnp.float32)
    return {"train_x": train_x, "u_emb": u_emb, "i_emb": i_emb, "W": W, "b": b}

def reference(train_x, u_emb, i_emb, W, b):
    user_id = train_x[:, 0]
    item_id = train_x[:, 1]
    vector_user = jnp.take(u_emb, user_id, axis=0)
    vector_item = jnp.take(i_emb, item_id, axis=0)
    feat = jnp.concatenate((vector_user, vector_item), axis=1)
    prediction = feat @ W.T + b
    return jnp.squeeze(prediction)

if __name__ == "__main__":
    import jax
    _d = setup_inputs()
    print(jax.jit(kernel)(*tuple(_d.values())))

</pallas_src>

<mosaic_0001>
#map = affine_map<(d0, d1) -> (0)>
#map1 = affine_map<(d0, d1) -> (0, 0)>
module attributes {stable_mosaic.version = 14 : i64} {
  func.func @_sc_gather_impl(%arg0: i32, %arg1: i32, %arg2: memref<1000000xf32, #tpu.memory_space<hbm>>, %arg3: memref<1000000xf32, #tpu.memory_space<hbm>>, %arg4: memref<2x16384xi32, #tpu.memory_space<hbm>>, %arg5: memref<16xf32, #tpu.memory_space<hbm>>, %arg6: memref<16384xf32, #tpu.memory_space<hbm>>, %arg7: memref<4x128xi32, #tpu.memory_space<vmem>>, %arg8: memref<4x128xi32, #tpu.memory_space<vmem>>, %arg9: memref<512xf32, #tpu.memory_space<vmem>>, %arg10: memref<512xf32, #tpu.memory_space<vmem>>, %arg11: memref<512xf32, #tpu.memory_space<vmem>>, %arg12: memref<16xf32, #tpu.memory_space<vmem>>, %arg13: memref<!tpu.dma_semaphore, #tpu.memory_space<semaphore_mem>>) attributes {dimension_semantics = [#tpu.dimension_semantics<core_parallel>, #tpu.dimension_semantics<subcore_parallel>], iteration_bounds = array<i64: 2, 16>, scalar_prefetch = 0 : i64, scratch_operands = 7 : i64, tpu.core_type = #tpu.core_type<sc_vector_subcore>, window_params = [{transform_indices = #map}, {transform_indices = #map}, {transform_indices = #map1}, {transform_indices = #map}, {transform_indices = #map}]} {
    %mul3A = arith.constant 2 : i32
    %mul3A_0 = arith.muli %arg1, %mul3A : i32
    %add3A = arith.addi %mul3A_0, %arg0 : i32
    %mul3A_1 = arith.constant 512 : i32
    %mul3A_2 = arith.muli %add3A, %mul3A_1 : i32
    %add3A_3 = arith.constant 0 : i32
    %add3A_4 = arith.addi %mul3A_2, %add3A_3 : i32
    %run_scoped3A = arith.constant 0 : i32
    %run_scoped3A_5 = arith.constant 0 : i32
    "tpu.region"() ({
      %run_scoped3A_545 = tpu.sem_alloc : memref<!tpu.dma_semaphore, #tpu.memory_space<semaphore_mem>>
      %dma_start3A_546 = arith.constant 0 : i32
      %dma_start3A_547 = tpu.memref_slice %arg7[%run_scoped3A_5, %dma_start3A_546] : memref<4x128xi32, #tpu.memory_space<vmem>> -> memref<1x128xi32, #tpu.memory_space<vmem>>
      %dma_start3A_548 = tpu.memref_squeeze %dma_start3A_547 : memref<1x128xi32, #tpu.memory_space<vmem>> -> memref<128xi32, #tpu.memory_space<vmem>>
      %dma_start3A_549 = tpu.memref_slice %arg4[%run_scoped3A, %add3A_4] : memref<2x16384xi32, #tpu.memory_space<hbm>> -> memref<1x128xi32, #tpu.memory_space<hbm>>
      %dma_start3A_550 = tpu.memref_squeeze %dma_start3A_549 : memref<1x128xi32, #tpu.memory_space<hbm>> -> memref<128xi32, #tpu.memory_space<hbm>>
      %dma_start3A_551 = arith.constant 0 : i32
      %dma_start3A_552 = tpu.memref_slice %arg7[%run_scoped3A_5, %dma_start3A_551] : memref<4x128xi32, #tpu.memory_space<vmem>> -> memref<1x128xi32, #tpu.memory_space<vmem>>
      %dma_start3A_553 = tpu.memref_squeeze %dma_start3A_552 : memref<1x128xi32, #tpu.memory_space<vmem>> -> memref<128xi32, #tpu.memory_space<vmem>>
      %dma_start3A_554 = tpu.memref_slice %arg4[%run_scoped3A, %add3A_4] : memref<2x16384xi32, #tpu.memory_space<hbm>> -> memref<1x128xi32, #tpu.memory_space<hbm>>
      %dma_start3A_555 = tpu.memref_squeeze %dma_start3A_554 : memref<1x128xi32, #tpu.memory_space<hbm>> -> memref<128xi32, #tpu.memory_space<hbm>>
      tpu.enqueue_dma source(%dma_start3A_555 : memref<128xi32, #tpu.memory_space<hbm>>) target(%dma_start3A_553 : memref<128xi32, #tpu.memory_space<vmem>>) target_semaphore(%run_scoped3A_545 : memref<!tpu.dma_semaphore, #tpu.memory_space<semaphore_mem>>)
      %dma_wait3A_556 = arith.constant 0 : i32
      %dma_wait3A_557 = tpu.memref_slice %arg7[%run_scoped3A_5, %dma_wait3A_556] : memref<4x128xi32, #tpu.memory_space<vmem>> -> memref<1x128xi32, #tpu.memory_space<vmem>>
      %dma_wait3A_558 = tpu.memref_squeeze %dma_wait3A_557 : memref<1x128xi32, #tpu.memory_space<vmem>> -> memref<128xi32, #tpu.memory_space<vmem>>
      %dma_wait3A_559 = tpu.memref_slice %arg4[%run_scoped3A, %add3A_4] : memref<2x16384xi32, #tpu.memory_space<hbm>> -> memref<1x128xi32, #tpu.memory_space<hbm>>
      %dma_wait3A_560 = tpu.memref_squeeze %dma_wait3A_559 : memref<1x128xi32, #tpu.memory_space<hbm>> -> memref<128xi32, #tpu.memory_space<hbm>>
      %dma_wait3A_561 = arith.constant 0 : i32
      %dma_wait3A_562 = tpu.memref_slice %arg7[%run_scoped3A_5, %dma_wait3A_561] : memref<4x128xi32, #tpu.memory_space<vmem>> -> memref<1x128xi32, #tpu.memory_space<vmem>>
      %dma_wait3A_563 = tpu.memref_squeeze %dma_wait3A_562 : memref<1x128xi32, #tpu.memory_space<vmem>> -> memref<128xi32, #tpu.memory_space<vmem>>
      %dma_wait3A_564 = tpu.memref_slice %arg4[%run_scoped3A, %add3A_4] : memref<2x16384xi32, #tpu.memory_space<hbm>> -> memref<1x128xi32, #tpu.memory_space<hbm>>
      %dma_wait3A_565 = tpu.memref_squeeze %dma_wait3A_564 : memref<1x128xi32, #tpu.memory_space<hbm>> -> memref<128xi32, #tpu.memory_space<hbm>>
      tpu.wait_dma2 semaphore(%run_scoped3A_545 : memref<!tpu.dma_semaphore, #tpu.memory_space<semaphore_mem>>) src(%dma_wait3A_565 : memref<128xi32, #tpu.memory_space<hbm>>) dst(%dma_wait3A_563 : memref<128xi32, #tpu.memory_space<vmem>>)
      tpu.yield
    }) : () -> ()
    %add3A_6 = arith.constant 0 : i32
    %add3A_7 = arith.addi %mul3A_2, %add3A_6 : i32
    %run_scoped3A_8 = arith.constant 1 : i32
    %run_scoped3A_9 = arith.constant 0 : i32
    "tpu.region"() ({
      %run_scoped3A_545 = tpu.sem_alloc : memref<!tpu.dma_semaphore, #tpu.memory_space<semaphore_mem>>
      %dma_start3A_546 = arith.constant 0 : i32
      %dma_start3A_547 = tpu.memref_slice %arg8[%run_scoped3A_9, %dma_start3A_546] : memref<4x128xi32, #tpu.memory_space<vmem>> -> memref<1x128xi32, #tpu.memory_space<vmem>>
      %dma_start3A_548 = tpu.memref_squeeze %dma_start3A_547 : memref<1x128xi32, #tpu.memory_space<vmem>> -> memref<128xi32, #tpu.memory_space<vmem>>
      %dma_start3A_549 = tpu.memref_slice %arg4[%run_scoped3A_8, %add3A_7] : memref<2x16384xi32, #tpu.memory_space<hbm>> -> memref<1x128xi32, #tpu.memory_space<hbm>>
      %dma_start3A_550 = tpu.memref_squeeze %dma_start3A_549 : memref<1x128xi32, #tpu.memory_space<hbm>> -> memref<128xi32, #tpu.memory_space<hbm>>
      %dma_start3A_551 = arith.constant 0 : i32
      %dma_start3A_552 = tpu.memref_slice %arg8[%run_scoped3A_9, %dma_start3A_551] : memref<4x128xi32, #tpu.memory_space<vmem>> -> memref<1x128xi32, #tpu.memory_space<vmem>>
      %dma_start3A_553 = tpu.memref_squeeze %dma_start3A_552 : memref<1x128xi32, #tpu.memory_space<vmem>> -> memref<128xi32, #tpu.memory_space<vmem>>
      %dma_start3A_554 = tpu.memref_slice %arg4[%run_scoped3A_8, %add3A_7] : memref<2x16384xi32, #tpu.memory_space<hbm>> -> memref<1x128xi32, #tpu.memory_space<hbm>>
      %dma_start3A_555 = tpu.memref_squeeze %dma_start3A_554 : memref<1x128xi32, #tpu.memory_space<hbm>> -> memref<128xi32, #tpu.memory_space<hbm>>
      tpu.enqueue_dma source(%dma_start3A_555 : memref<128xi32, #tpu.memory_space<hbm>>) target(%dma_start3A_553 : memref<128xi32, #tpu.memory_space<vmem>>) target_semaphore(%run_scoped3A_545 : memref<!tpu.dma_semaphore, #tpu.memory_space<semaphore_mem>>)
      %dma_wait3A_556 = arith.constant 0 : i32
      %dma_wait3A_557 = tpu.memref_slice %arg8[%run_scoped3A_9, %dma_wait3A_556] : memref<4x128xi32, #tpu.memory_space<vmem>> -> memref<1x128xi32, #tpu.memory_space<vmem>>
      %dma_wait3A_558 = tpu.memref_squeeze %dma_wait3A_557 : memref<1x128xi32, #tpu.memory_space<vmem>> -> memref<128xi32, #tpu.memory_space<vmem>>
      %dma_wait3A_559 = tpu.memref_slice %arg4[%run_scoped3A_8, %add3A_7] : memref<2x16384xi32, #tpu.memory_space<hbm>> -> memref<1x128xi32, #tpu.memory_space<hbm>>
      %dma_wait3A_560 = tpu.memref_squeeze %dma_wait3A_559 : memref<1x128xi32, #tpu.memory_space<hbm>> -> memref<128xi32, #tpu.memory_space<hbm>>
      %dma_wait3A_561 = arith.constant 0 : i32
      %dma_wait3A_562 = tpu.memref_slice %arg8[%run_scoped3A_9, %dma_wait3A_561] : memref<4x128xi32, #tpu.memory_space<vmem>> -> memref<1x128xi32, #tpu.memory_space<vmem>>
      %dma_wait3A_563 = tpu.memref_squeeze %dma_wait3A_562 : memref<1x128xi32, #tpu.memory_space<vmem>> -> memref<128xi32, #tpu.memory_space<vmem>>
      %dma_wait3A_564 = tpu.memref_slice %arg4[%run_scoped3A_8, %add3A_7] : memref<2x16384xi32, #tpu.memory_space<hbm>> -> memref<1x128xi32, #tpu.memory_space<hbm>>
      %dma_wait3A_565 = tpu.memref_squeeze %dma_wait3A_564 : memref<1x128xi32, #tpu.memory_space<hbm>> -> memref<128xi32, #tpu.memory_space<hbm>>
      tpu.wait_dma2 semaphore(%run_scoped3A_545 : memref<!tpu.dma_semaphore, #tpu.memory_space<semaphore_mem>>) src(%dma_wait3A_565 : memref<128xi32, #tpu.memory_space<hbm>>) dst(%dma_wait3A_563 : memref<128xi32, #tpu.memory_space<vmem>>)
      tpu.yield
    }) : () -> ()
    %add3A_10 = arith.constant 128 : i32
    %add3A_11 = arith.addi %mul3A_2, %add3A_10 : i32
    %run_scoped3A_12 = arith.constant 0 : i32
    %run_scoped3A_13 = arith.constant 1 : i32
    "tpu.region"() ({
      %run_scoped3A_545 = tpu.sem_alloc : memref<!tpu.dma_semaphore, #tpu.memory_space<semaphore_mem>>
      %dma_start3A_546 = arith.constant 0 : i32
      %dma_start3A_547 = tpu.memref_slice %arg7[%run_scoped3A_13, %dma_start3A_546] : memref<4x128xi32, #tpu.memory_space<vmem>> -> memref<1x128xi32, #tpu.memory_space<vmem>>
      %dma_start3A_548 = tpu.memref_squeeze %dma_start3A_547 : memref<1x128xi32, #tpu.memory_space<vmem>> -> memref<128xi32, #tpu.memory_space<vmem>>
      %dma_start3A_549 = tpu.memref_slice %arg4[%run_scoped3A_12, %add3A_11] : memref<2x16384xi32, #tpu.memory_space<hbm>> -> memref<1x128xi32, #tpu.memory_space<hbm>>
      %dma_start3A_550 = tpu.memref_squeeze %dma_start3A_549 : memref<1x128xi32, #tpu.memory_space<hbm>> -> memref<128xi32, #tpu.memory_space<hbm>>
      %dma_start3A_551 = arith.constant 0 : i32
      %dma_start3A_552 = tpu.memref_slice %arg7[%run_scoped3A_13, %dma_start3A_551] : memref<4x128xi32, #tpu.memory_space<vmem>> -> memref<1x128xi32, #tpu.memory_space<vmem>>
      %dma_start3A_553 = tpu.memref_squeeze %dma_start3A_552 : memref<1x128xi32, #tpu.memory_space<vmem>> -> memref<128xi32, #tpu.memory_space<vmem>>
      %dma_start3A_554 = tpu.memref_slice %arg4[%run_scoped3A_12, %add3A_11] : memref<2x16384xi32, #tpu.memory_space<hbm>> -> memref<1x128xi32, #tpu.memory_space<hbm>>
      %dma_start3A_555 = tpu.memref_squeeze %dma_start3A_554 : memref<1x128xi32, #tpu.memory_space<hbm>> -> memref<128xi32, #tpu.memory_space<hbm>>
      tpu.enqueue_dma source(%dma_start3A_555 : memref<128xi32, #tpu.memory_space<hbm>>) target(%dma_start3A_553 : memref<128xi32, #tpu.memory_space<vmem>>) target_semaphore(%run_scoped3A_545 : memref<!tpu.dma_semaphore, #tpu.memory_space<semaphore_mem>>)
      %dma_wait3A_556 = arith.constant 0 : i32
      %dma_wait3A_557 = tpu.memref_slice %arg7[%run_scoped3A_13, %dma_wait3A_556] : memref<4x128xi32, #tpu.memory_space<vmem>> -> memref<1x128xi32, #tpu.memory_space<vmem>>
      %dma_wait3A_558 = tpu.memref_squeeze %dma_wait3A_557 : memref<1x128xi32, #tpu.memory_space<vmem>> -> memref<128xi32, #tpu.memory_space<vmem>>
      %dma_wait3A_559 = tpu.memref_slice %arg4[%run_scoped3A_12, %add3A_11] : memref<2x16384xi32, #tpu.memory_space<hbm>> -> memref<1x128xi32, #tpu.memory_space<hbm>>
      %dma_wait3A_560 = tpu.memref_squeeze %dma_wait3A_559 : memref<1x128xi32, #tpu.memory_space<hbm>> -> memref<128xi32, #tpu.memory_space<hbm>>
      %dma_wait3A_561 = arith.constant 0 : i32
      %dma_wait3A_562 = tpu.memref_slice %arg7[%run_scoped3A_13, %dma_wait3A_561] : memref<4x128xi32, #tpu.memory_space<vmem>> -> memref<1x128xi32, #tpu.memory_space<vmem>>
      %dma_wait3A_563 = tpu.memref_squeeze %dma_wait3A_562 : memref<1x128xi32, #tpu.memory_space<vmem>> -> memref<128xi32, #tpu.memory_space<vmem>>
      %dma_wait3A_564 = tpu.memref_slice %arg4[%run_scoped3A_12, %add3A_11] : memref<2x16384xi32, #tpu.memory_space<hbm>> -> memref<1x128xi32, #tpu.memory_space<hbm>>
      %dma_wait3A_565 = tpu.memref_squeeze %dma_wait3A_564 : memref<1x128xi32, #tpu.memory_space<hbm>> -> memref<128xi32, #tpu.memory_space<hbm>>
      tpu.wait_dma2 semaphore(%run_scoped3A_545 : memref<!tpu.dma_semaphore, #tpu.memory_space<semaphore_mem>>) src(%dma_wait3A_565 : memref<128xi32, #tpu.memory_space<hbm>>) dst(%dma_wait3A_563 : memref<128xi32, #tpu.memory_space<vmem>>)
      tpu.yield
    }) : () -> ()
    %add3A_14 = arith.constant 128 : i32
    %add3A_15 = arith.addi %mul3A_2, %add3A_14 : i32
    %run_scoped3A_16 = arith.constant 1 : i32
    %run_scoped3A_17 = arith.constant 1 : i32
    "tpu.region"() ({
      %run_scoped3A_545 = tpu.sem_alloc : memref<!tpu.dma_semaphore, #tpu.memory_space<semaphore_mem>>
      %dma_start3A_546 = arith.constant 0 : i32
      %dma_start3A_547 = tpu.memref_slice %arg8[%run_scoped3A_17, %dma_start3A_546] : memref<4x128xi32, #tpu.memory_space<vmem>> -> memref<1x128xi32, #tpu.memory_space<vmem>>
      %dma_start3A_548 = tpu.memref_squeeze %dma_start3A_547 : memref<1x128xi32, #tpu.memory_space<vmem>> -> memref<128xi32, #tpu.memory_space<vmem>>
      %dma_start3A_549 = tpu.memref_slice %arg4[%run_scoped3A_16, %add3A_15] : memref<2x16384xi32, #tpu.memory_space<hbm>> -> memref<1x128xi32, #tpu.memory_space<hbm>>
      %dma_start3A_550 = tpu.memref_squeeze %dma_start3A_549 : memref<1x128xi32, #tpu.memory_space<hbm>> -> memref<128xi32, #tpu.memory_space<hbm>>
      %dma_start3A_551 = arith.constant 0 : i32
      %dma_start3A_552 = tpu.memref_slice %arg8[%run_scoped3A_17, %dma_start3A_551] : memref<4x128xi32, #tpu.memory_space<vmem>> -> memref<1x128xi32, #tpu.memory_space<vmem>>
      %dma_start3A_553 = tpu.memref_squeeze %dma_start3A_552 : memref<1x128xi32, #tpu.memory_space<vmem>> -> memref<128xi32, #tpu.memory_space<vmem>>
      %dma_start3A_554 = tpu.memref_slice %arg4[%run_scoped3A_16, %add3A_15] : memref<2x16384xi32, #tpu.memory_space<hbm>> -> memref<1x128xi32, #tpu.memory_space<hbm>>
      %dma_start3A_555 = tpu.memref_squeeze %dma_start3A_554 : memref<1x128xi32, #tpu.memory_space<hbm>> -> memref<128xi32, #tpu.memory_space<hbm>>
      tpu.enqueue_dma source(%dma_start3A_555 : memref<128xi32, #tpu.memory_space<hbm>>) target(%dma_start3A_553 : memref<128xi32, #tpu.memory_space<vmem>>) target_semaphore(%run_scoped3A_545 : memref<!tpu.dma_semaphore, #tpu.memory_space<semaphore_mem>>)
      %dma_wait3A_556 = arith.constant 0 : i32
      %dma_wait3A_557 = tpu.memref_slice %arg8[%run_scoped3A_17, %dma_wait3A_556] : memref<4x128xi32, #tpu.memory_space<vmem>> -> memref<1x128xi32, #tpu.memory_space<vmem>>
      %dma_wait3A_558 = tpu.memref_squeeze %dma_wait3A_557 : memref<1x128xi32, #tpu.memory_space<vmem>> -> memref<128xi32, #tpu.memory_space<vmem>>
      %dma_wait3A_559 = tpu.memref_slice %arg4[%run_scoped3A_16, %add3A_15] : memref<2x16384xi32, #tpu.memory_space<hbm>> -> memref<1x128xi32, #tpu.memory_space<hbm>>
      %dma_wait3A_560 = tpu.memref_squeeze %dma_wait3A_559 : memref<1x128xi32, #tpu.memory_space<hbm>> -> memref<128xi32, #tpu.memory_space<hbm>>
      %dma_wait3A_561 = arith.constant 0 : i32
      %dma_wait3A_562 = tpu.memref_slice %arg8[%run_scoped3A_17, %dma_wait3A_561] : memref<4x128xi32, #tpu.memory_space<vmem>> -> memref<1x128xi32, #tpu.memory_space<vmem>>
      %dma_wait3A_563 = tpu.memref_squeeze %dma_wait3A_562 : memref<1x128xi32, #tpu.memory_space<vmem>> -> memref<128xi32, #tpu.memory_space<vmem>>
      %dma_wait3A_564 = tpu.memref_slice %arg4[%run_scoped3A_16, %add3A_15] : memref<2x16384xi32, #tpu.memory_space<hbm>> -> memref<1x128xi32, #tpu.memory_space<hbm>>
      %dma_wait3A_565 = tpu.memref_squeeze %dma_wait3A_564 : memref<1x128xi32, #tpu.memory_space<hbm>> -> memref<128xi32, #tpu.memory_space<hbm>>
      tpu.wait_dma2 semaphore(%run_scoped3A_545 : memref<!tpu.dma_semaphore, #tpu.memory_space<semaphore_mem>>) src(%dma_wait3A_565 : memref<128xi32, #tpu.memory_space<hbm>>) dst(%dma_wait3A_563 : memref<128xi32, #tpu.memory_space<vmem>>)
      tpu.yield
    }) : () -> ()
    %add3A_18 = arith.constant 256 : i32
    %add3A_19 = arith.addi %mul3A_2, %add3A_18 : i32
    %run_scoped3A_20 = arith.constant 0 : i32
    %run_scoped3A_21 = arith.constant 2 : i32
    "tpu.region"() ({
      %run_scoped3A_545 = tpu.sem_alloc : memref<!tpu.dma_semaphore, #tpu.memory_space<semaphore_mem>>
      %dma_start3A_546 = arith.constant 0 : i32
      %dma_start3A_547 = tpu.memref_slice %arg7[%run_scoped3A_21, %dma_start3A_546] : memref<4x128xi32, #tpu.memory_space<vmem>> -> memref<1x128xi32, #tpu.memory_space<vmem>>
      %dma_start3A_548 = tpu.memref_squeeze %dma_start3A_547 : memref<1x128xi32, #tpu.memory_space<vmem>> -> memref<128xi32, #tpu.memory_space<vmem>>
      %dma_start3A_549 = tpu.memref_slice %arg4[%run_scoped3A_20, %add3A_19] : memref<2x16384xi32, #tpu.memory_space<hbm>> -> memref<1x128xi32, #tpu.memory_space<hbm>>
      %dma_start3A_550 = tpu.memref_squeeze %dma_start3A_549 : memref<1x128xi32, #tpu.memory_space<hbm>> -> memref<128xi32, #tpu.memory_space<hbm>>
      %dma_start3A_551 = arith.constant 0 : i32
      %dma_start3A_552 = tpu.memref_slice %arg7[%run_scoped3A_21, %dma_start3A_551] : memref<4x128xi32, #tpu.memory_space<vmem>> -> memref<1x128xi32, #tpu.memory_space<vmem>>
      %dma_start3A_553 = tpu.memref_squeeze %dma_start3A_552 : memref<1x128xi32, #tpu.memory_space<vmem>> -> memref<128xi32, #tpu.memory_space<vmem>>
      %dma_start3A_554 = tpu.memref_slice %arg4[%run_scoped3A_20, %add3A_19] : memref<2x16384xi32, #tpu.memory_space<hbm>> -> memref<1x128xi32, #tpu.memory_space<hbm>>
      %dma_start3A_555 = tpu.memref_squeeze %dma_start3A_554 : memref<1x128xi32, #tpu.memory_space<hbm>> -> memref<128xi32, #tpu.memory_space<hbm>>
      tpu.enqueue_dma source(%dma_start3A_555 : memref<128xi32, #tpu.memory_space<hbm>>) target(%dma_start3A_553 : memref<128xi32, #tpu.memory_space<vmem>>) target_semaphore(%run_scoped3A_545 : memref<!tpu.dma_semaphore, #tpu.memory_space<semaphore_mem>>)
      %dma_wait3A_556 = arith.constant 0 : i32
      %dma_wait3A_557 = tpu.memref_slice %arg7[%run_scoped3A_21, %dma_wait3A_556] : memref<4x128xi32, #tpu.memory_space<vmem>> -> memref<1x128xi32, #tpu.memory_space<vmem>>
      %dma_wait3A_558 = tpu.memref_squeeze %dma_wait3A_557 : memref<1x128xi32, #tpu.memory_space<vmem>> -> memref<128xi32, #tpu.memory_space<vmem>>
      %dma_wait3A_559 = tpu.memref_slice %arg4[%run_scoped3A_20, %add3A_19] : memref<2x16384xi32, #tpu.memory_space<hbm>> -> memref<1x128xi32, #tpu.memory_space<hbm>>
      %dma_wait3A_560 = tpu.memref_squeeze %dma_wait3A_559 : memref<1x128xi32, #tpu.memory_space<hbm>> -> memref<128xi32, #tpu.memory_space<hbm>>
      %dma_wait3A_561 = arith.constant 0 : i32
      %dma_wait3A_562 = tpu.memref_slice %arg7[%run_scoped3A_21, %dma_wait3A_561] : memref<4x128xi32, #tpu.memory_space<vmem>> -> memref<1x128xi32, #tpu.memory_space<vmem>>
      %dma_wait3A_563 = tpu.memref_squeeze %dma_wait3A_562 : memref<1x128xi32, #tpu.memory_space<vmem>> -> memref<128xi32, #tpu.memory_space<vmem>>
      %dma_wait3A_564 = tpu.memref_slice %arg4[%run_scoped3A_20, %add3A_19] : memref<2x16384xi32, #tpu.memory_space<hbm>> -> memref<1x128xi32, #tpu.memory_space<hbm>>
      %dma_wait3A_565 = tpu.memref_squeeze %dma_wait3A_564 : memref<1x128xi32, #tpu.memory_space<hbm>> -> memref<128xi32, #tpu.memory_space<hbm>>
      tpu.wait_dma2 semaphore(%run_scoped3A_545 : memref<!tpu.dma_semaphore, #tpu.memory_space<semaphore_mem>>) src(%dma_wait3A_565 : memref<128xi32, #tpu.memory_space<hbm>>) dst(%dma_wait3A_563 : memref<128xi32, #tpu.memory_space<vmem>>)
      tpu.yield
    }) : () -> ()
    %add3A_22 = arith.constant 256 : i32
    %add3A_23 = arith.addi %mul3A_2, %add3A_22 : i32
    %run_scoped3A_24 = arith.constant 1 : i32
    %run_scoped3A_25 = arith.constant 2 : i32
    "tpu.region"() ({
      %run_scoped3A_545 = tpu.sem_alloc : memref<!tpu.dma_semaphore, #tpu.memory_space<semaphore_mem>>
      %dma_start3A_546 = arith.constant 0 : i32
      %dma_start3A_547 = tpu.memref_slice %arg8[%run_scoped3A_25, %dma_start3A_546] : memref<4x128xi32, #tpu.memory_space<vmem>> -> memref<1x128xi32, #tpu.memory_space<vmem>>
      %dma_start3A_548 = tpu.memref_squeeze %dma_start3A_547 : memref<1x128xi32, #tpu.memory_space<vmem>> -> memref<128xi32, #tpu.memory_space<vmem>>
      %dma_start3A_549 = tpu.memref_slice %arg4[%run_scoped3A_24, %add3A_23] : memref<2x16384xi32, #tpu.memory_space<hbm>> -> memref<1x128xi32, #tpu.memory_space<hbm>>
      %dma_start3A_550 = tpu.memref_squeeze %dma_start3A_549 : memref<1x128xi32, #tpu.memory_space<hbm>> -> memref<128xi32, #tpu.memory_space<hbm>>
      %dma_start3A_551 = arith.constant 0 : i32
      %dma_start3A_552 = tpu.memref_slice %arg8[%run_scoped3A_25, %dma_start3A_551] : memref<4x128xi32, #tpu.memory_space<vmem>> -> memref<1x128xi32, #tpu.memory_space<vmem>>
      %dma_start3A_553 = tpu.memref_squeeze %dma_start3A_552 : memref<1x128xi32, #tpu.memory_space<vmem>> -> memref<128xi32, #tpu.memory_space<vmem>>
      %dma_start3A_554 = tpu.memref_slice %arg4[%run_scoped3A_24, %add3A_23] : memref<2x16384xi32, #tpu.memory_space<hbm>> -> memref<1x128xi32, #tpu.memory_space<hbm>>
      %dma_start3A_555 = tpu.memref_squeeze %dma_start3A_554 : memref<1x128xi32, #tpu.memory_space<hbm>> -> memref<128xi32, #tpu.memory_space<hbm>>
      tpu.enqueue_dma source(%dma_start3A_555 : memref<128xi32, #tpu.memory_space<hbm>>) target(%dma_start3A_553 : memref<128xi32, #tpu.memory_space<vmem>>) target_semaphore(%run_scoped3A_545 : memref<!tpu.dma_semaphore, #tpu.memory_space<semaphore_mem>>)
      %dma_wait3A_556 = arith.constant 0 : i32
      %dma_wait3A_557 = tpu.memref_slice %arg8[%run_scoped3A_25, %dma_wait3A_556] : memref<4x128xi32, #tpu.memory_space<vmem>> -> memref<1x128xi32, #tpu.memory_space<vmem>>
      %dma_wait3A_558 = tpu.memref_squeeze %dma_wait3A_557 : memref<1x128xi32, #tpu.memory_space<vmem>> -> memref<128xi32, #tpu.memory_space<vmem>>
      %dma_wait3A_559 = tpu.memref_slice %arg4[%run_scoped3A_24, %add3A_23] : memref<2x16384xi32, #tpu.memory_space<hbm>> -> memref<1x128xi32, #tpu.memory_space<hbm>>
      %dma_wait3A_560 = tpu.memref_squeeze %dma_wait3A_559 : memref<1x128xi32, #tpu.memory_space<hbm>> -> memref<128xi32, #tpu.memory_space<hbm>>
      %dma_wait3A_561 = arith.constant 0 : i32
      %dma_wait3A_562 = tpu.memref_slice %arg8[%run_scoped3A_25, %dma_wait3A_561] : memref<4x128xi32, #tpu.memory_space<vmem>> -> memref<1x128xi32, #tpu.memory_space<vmem>>
      %dma_wait3A_563 = tpu.memref_squeeze %dma_wait3A_562 : memref<1x128xi32, #tpu.memory_space<vmem>> -> memref<128xi32, #tpu.memory_space<vmem>>
      %dma_wait3A_564 = tpu.memref_slice %arg4[%run_scoped3A_24, %add3A_23] : memref<2x16384xi32, #tpu.memory_space<hbm>> -> memref<1x128xi32, #tpu.memory_space<hbm>>
      %dma_wait3A_565 = tpu.memref_squeeze %dma_wait3A_564 : memref<1x128xi32, #tpu.memory_space<hbm>> -> memref<128xi32, #tpu.memory_space<hbm>>
      tpu.wait_dma2 semaphore(%run_scoped3A_545 : memref<!tpu.dma_semaphore, #tpu.memory_space<semaphore_mem>>) src(%dma_wait3A_565 : memref<128xi32, #tpu.memory_space<hbm>>) dst(%dma_wait3A_563 : memref<128xi32, #tpu.memory_space<vmem>>)
      tpu.yield
    }) : () -> ()
    %add3A_26 = arith.constant 384 : i32
    %add3A_27 = arith.addi %mul3A_2, %add3A_26 : i32
    %run_scoped3A_28 = arith.constant 0 : i32
    %run_scoped3A_29 = arith.constant 3 : i32
    "tpu.region"() ({
      %run_scoped3A_545 = tpu.sem_alloc : memref<!tpu.dma_semaphore, #tpu.memory_space<semaphore_mem>>
      %dma_start3A_546 = arith.constant 0 : i32
      %dma_start3A_547 = tpu.memref_slice %arg7[%run_scoped3A_29, %dma_start3A_546] : memref<4x128xi32, #tpu.memory_space<vmem>> -> memref<1x128xi32, #tpu.memory_space<vmem>>
      %dma_start3A_548 = tpu.memref_squeeze %dma_start3A_547 : memref<1x128xi32, #tpu.memory_space<vmem>> -> memref<128xi32, #tpu.memory_space<vmem>>
      %dma_start3A_549 = tpu.memref_slice %arg4[%run_scoped3A_28, %add3A_27] : memref<2x16384xi32, #tpu.memory_space<hbm>> -> memref<1x128xi32, #tpu.memory_space<hbm>>
      %dma_start3A_550 = tpu.memref_squeeze %dma_start3A_549 : memref<1x128xi32, #tpu.memory_space<hbm>> -> memref<128xi32, #tpu.memory_space<hbm>>
      %dma_start3A_551 = arith.constant 0 : i32
      %dma_start3A_552 = tpu.memref_slice %arg7[%run_scoped3A_29, %dma_start3A_551] : memref<4x128xi32, #tpu.memory_space<vmem>> -> memref<1x128xi32, #tpu.memory_space<vmem>>
      %dma_start3A_553 = tpu.memref_squeeze %dma_start3A_552 : memref<1x128xi32, #tpu.memory_space<vmem>> -> memref<128xi32, #tpu.memory_space<vmem>>
      %dma_start3A_554 = tpu.memref_slice %arg4[%run_scoped3A_28, %add3A_27] : memref<2x16384xi32, #tpu.memory_space<hbm>> -> memref<1x128xi32, #tpu.memory_space<hbm>>
      %dma_start3A_555 = tpu.memref_squeeze %dma_start3A_554 : memref<1x128xi32, #tpu.memory_space<hbm>> -> memref<128xi32, #tpu.memory_space<hbm>>
      tpu.enqueue_dma source(%dma_start3A_555 : memref<128xi32, #tpu.memory_space<hbm>>) target(%dma_start3A_553 : memref<128xi32, #tpu.memory_space<vmem>>) target_semaphore(%run_scoped3A_545 : memref<!tpu.dma_semaphore, #tpu.memory_space<semaphore_mem>>)
      %dma_wait3A_556 = arith.constant 0 : i32
      %dma_wait3A_557 = tpu.memref_slice %arg7[%run_scoped3A_29, %dma_wait3A_556] : memref<4x128xi32, #tpu.memory_space<vmem>> -> memref<1x128xi32, #tpu.memory_space<vmem>>
      %dma_wait3A_558 = tpu.memref_squeeze %dma_wait3A_557 : memref<1x128xi32, #tpu.memory_space<vmem>> -> memref<128xi32, #tpu.memory_space<vmem>>
      %dma_wait3A_559 = tpu.memref_slice %arg4[%run_scoped3A_28, %add3A_27] : memref<2x16384xi32, #tpu.memory_space<hbm>> -> memref<1x128xi32, #tpu.memory_space<hbm>>
      %dma_wait3A_560 = tpu.memref_squeeze %dma_wait3A_559 : memref<1x128xi32, #tpu.memory_space<hbm>> -> memref<128xi32, #tpu.memory_space<hbm>>
      %dma_wait3A_561 = arith.constant 0 : i32
      %dma_wait3A_562 = tpu.memref_slice %arg7[%run_scoped3A_29, %dma_wait3A_561] : memref<4x128xi32, #tpu.memory_space<vmem>> -> memref<1x128xi32, #tpu.memory_space<vmem>>
      %dma_wait3A_563 = tpu.memref_squeeze %dma_wait3A_562 : memref<1x128xi32, #tpu.memory_space<vmem>> -> memref<128xi32, #tpu.memory_space<vmem>>
      %dma_wait3A_564 = tpu.memref_slice %arg4[%run_scoped3A_28, %add3A_27] : memref<2x16384xi32, #tpu.memory_space<hbm>> -> memref<1x128xi32, #tpu.memory_space<hbm>>
      %dma_wait3A_565 = tpu.memref_squeeze %dma_wait3A_564 : memref<1x128xi32, #tpu.memory_space<hbm>> -> memref<128xi32, #tpu.memory_space<hbm>>
      tpu.wait_dma2 semaphore(%run_scoped3A_545 : memref<!tpu.dma_semaphore, #tpu.memory_space<semaphore_mem>>) src(%dma_wait3A_565 : memref<128xi32, #tpu.memory_space<hbm>>) dst(%dma_wait3A_563 : memref<128xi32, #tpu.memory_space<vmem>>)
      tpu.yield
    }) : () -> ()
    %add3A_30 = arith.constant 384 : i32
    %add3A_31 = arith.addi %mul3A_2, %add3A_30 : i32
    %run_scoped3A_32 = arith.constant 1 : i32
    %run_scoped3A_33 = arith.constant 3 : i32
    "tpu.region"() ({
      %run_scoped3A_545 = tpu.sem_alloc : memref<!tpu.dma_semaphore, #tpu.memory_space<semaphore_mem>>
      %dma_start3A_546 = arith.constant 0 : i32
      %dma_start3A_547 = tpu.memref_slice %arg8[%run_scoped3A_33, %dma_start3A_546] : memref<4x128xi32, #tpu.memory_space<vmem>> -> memref<1x128xi32, #tpu.memory_space<vmem>>
      %dma_start3A_548 = tpu.memref_squeeze %dma_start3A_547 : memref<1x128xi32, #tpu.memory_space<vmem>> -> memref<128xi32, #tpu.memory_space<vmem>>
      %dma_start3A_549 = tpu.memref_slice %arg4[%run_scoped3A_32, %add3A_31] : memref<2x16384xi32, #tpu.memory_space<hbm>> -> memref<1x128xi32, #tpu.memory_space<hbm>>
      %dma_start3A_550 = tpu.memref_squeeze %dma_start3A_549 : memref<1x128xi32, #tpu.memory_space<hbm>> -> memref<128xi32, #tpu.memory_space<hbm>>
      %dma_start3A_551 = arith.constant 0 : i32
      %dma_start3A_552 = tpu.memref_slice %arg8[%run_scoped3A_33, %dma_start3A_551] : memref<4x128xi32, #tpu.memory_space<vmem>> -> memref<1x128xi32, #tpu.memory_space<vmem>>
      %dma_start3A_553 = tpu.memref_squeeze %dma_start3A_552 : memref<1x128xi32, #tpu.memory_space<vmem>> -> memref<128xi32, #tpu.memory_space<vmem>>
      %dma_start3A_554 = tpu.memref_slice %arg4[%run_scoped3A_32, %add3A_31] : memref<2x16384xi32, #tpu.memory_space<hbm>> -> memref<1x128xi32, #tpu.memory_space<hbm>>
      %dma_start3A_555 = tpu.memref_squeeze %dma_start3A_554 : memref<1x128xi32, #tpu.memory_space<hbm>> -> memref<128xi32, #tpu.memory_space<hbm>>
      tpu.enqueue_dma source(%dma_start3A_555 : memref<128xi32, #tpu.memory_space<hbm>>) target(%dma_start3A_553 : memref<128xi32, #tpu.memory_space<vmem>>) target_semaphore(%run_scoped3A_545 : memref<!tpu.dma_semaphore, #tpu.memory_space<semaphore_mem>>)
      %dma_wait3A_556 = arith.constant 0 : i32
      %dma_wait3A_557 = tpu.memref_slice %arg8[%run_scoped3A_33, %dma_wait3A_556] : memref<4x128xi32, #tpu.memory_space<vmem>> -> memref<1x128xi32, #tpu.memory_space<vmem>>
      %dma_wait3A_558 = tpu.memref_squeeze %dma_wait3A_557 : memref<1x128xi32, #tpu.memory_space<vmem>> -> memref<128xi32, #tpu.memory_space<vmem>>
      %dma_wait3A_559 = tpu.memref_slice %arg4[%run_scoped3A_32, %add3A_31] : memref<2x16384xi32, #tpu.memory_space<hbm>> -> memref<1x128xi32, #tpu.memory_space<hbm>>
      %dma_wait3A_560 = tpu.memref_squeeze %dma_wait3A_559 : memref<1x128xi32, #tpu.memory_space<hbm>> -> memref<128xi32, #tpu.memory_space<hbm>>
      %dma_wait3A_561 = arith.constant 0 : i32
      %dma_wait3A_562 = tpu.memref_slice %arg8[%run_scoped3A_33, %dma_wait3A_561] : memref<4x128xi32, #tpu.memory_space<vmem>> -> memref<1x128xi32, #tpu.memory_space<vmem>>
      %dma_wait3A_563 = tpu.memref_squeeze %dma_wait3A_562 : memref<1x128xi32, #tpu.memory_space<vmem>> -> memref<128xi32, #tpu.memory_space<vmem>>
      %dma_wait3A_564 = tpu.memref_slice %arg4[%run_scoped3A_32, %add3A_31] : memref<2x16384xi32, #tpu.memory_space<hbm>> -> memref<1x128xi32, #tpu.memory_space<hbm>>
      %dma_wait3A_565 = tpu.memref_squeeze %dma_wait3A_564 : memref<1x128xi32, #tpu.memory_space<hbm>> -> memref<128xi32, #tpu.memory_space<hbm>>
      tpu.wait_dma2 semaphore(%run_scoped3A_545 : memref<!tpu.dma_semaphore, #tpu.memory_space<semaphore_mem>>) src(%dma_wait3A_565 : memref<128xi32, #tpu.memory_space<hbm>>) dst(%dma_wait3A_563 : memref<128xi32, #tpu.memory_space<vmem>>)
      tpu.yield
    }) : () -> ()
    "tpu.region"() ({
      %run_scoped3A_545 = tpu.sem_alloc : memref<!tpu.dma_semaphore, #tpu.memory_space<semaphore_mem>>
      tpu.enqueue_dma source(%arg5 : memref<16xf32, #tpu.memory_space<hbm>>) target(%arg12 : memref<16xf32, #tpu.memory_space<vmem>>) target_semaphore(%run_scoped3A_545 : memref<!tpu.dma_semaphore, #tpu.memory_space<semaphore_mem>>)
      tpu.wait_dma2 semaphore(%run_scoped3A_545 : memref<!tpu.dma_semaphore, #tpu.memory_space<semaphore_mem>>) src(%arg5 : memref<16xf32, #tpu.memory_space<hbm>>) dst(%arg12 : memref<16xf32, #tpu.memory_space<vmem>>)
      tpu.yield
    }) : () -> ()
    %dma_start3A = arith.constant 0 : i32
    %dma_start3A_34 = arith.constant 0 : i32
    %dma_start3A_35 = tpu.memref_slice %arg9[%dma_start3A_34] : memref<512xf32, #tpu.memory_space<vmem>> -> memref<128xf32, #tpu.memory_space<vmem>>
    %dma_start3A_36 = arith.constant 0 : i32
    %dma_start3A_37 = tpu.memref_slice %arg7[%dma_start3A, %dma_start3A_36] : memref<4x128xi32, #tpu.memory_space<vmem>> -> memref<1x128xi32, #tpu.memory_space<vmem>>
    %dma_start3A_38 = tpu.memref_squeeze %dma_start3A_37 : memref<1x128xi32, #tpu.memory_space<vmem>> -> memref<128xi32, #tpu.memory_space<vmem>>
    %dma_start3A_39 = arith.constant 0 : i32
    %dma_start3A_40 = tpu.memref_slice %arg2[%dma_start3A_39] : memref<1000000xf32, #tpu.memory_space<hbm>> -> memref<1000000xf32, #tpu.memory_space<hbm>>
    tpu.enqueue_indirect_dma source(%dma_start3A_40 : memref<1000000xf32, #tpu.memory_space<hbm>>) target(%dma_start3A_35 : memref<128xf32, #tpu.memory_space<vmem>>) offsets(%dma_start3A_38 : memref<128xi32, #tpu.memory_space<vmem>>) semaphore(%arg13 : memref<!tpu.dma_semaphore, #tpu.memory_space<semaphore_mem>>)
    %dma_start3A_41 = arith.constant 0 : i32
    %dma_start3A_42 = arith.constant 0 : i32
    %dma_start3A_43 = tpu.memref_slice %arg10[%dma_start3A_42] : memref<512xf32, #tpu.memory_space<vmem>> -> memref<128xf32, #tpu.memory_space<vmem>>
    %dma_start3A_44 = arith.constant 0 : i32
    %dma_start3A_45 = tpu.memref_slice %arg8[%dma_start3A_41, %dma_start3A_44] : memref<4x128xi32, #tpu.memory_space<vmem>> -> memref<1x128xi32, #tpu.memory_space<vmem>>
    %dma_start3A_46 = tpu.memref_squeeze %dma_start3A_45 : memref<1x128xi32, #tpu.memory_space<vmem>> -> memref<128xi32, #tpu.memory_space<vmem>>
    %dma_start3A_47 = arith.constant 0 : i32
    %dma_start3A_48 = tpu.memref_slice %arg3[%dma_start3A_47] : memref<1000000xf32, #tpu.memory_space<hbm>> -> memref<1000000xf32, #tpu.memory_space<hbm>>
    tpu.enqueue_indirect_dma source(%dma_start3A_48 : memref<1000000xf32, #tpu.memory_space<hbm>>) target(%dma_start3A_43 : memref<128xf32, #tpu.memory_space<vmem>>) offsets(%dma_start3A_46 : memref<128xi32, #tpu.memory_space<vmem>>) semaphore(%arg13 : memref<!tpu.dma_semaphore, #tpu.memory_space<semaphore_mem>>)
    %dma_start3A_49 = arith.constant 1 : i32
    %dma_start3A_50 = arith.constant 128 : i32
    %dma_start3A_51 = tpu.memref_slice %arg9[%dma_start3A_50] : memref<512xf32, #tpu.memory_space<vmem>> -> memref<128xf32, #tpu.memory_space<vmem>>
    %dma_start3A_52 = arith.constant 0 : i32
    %dma_start3A_53 = tpu.memref_slice %arg7[%dma_start3A_49, %dma_start3A_52] : memref<4x128xi32, #tpu.memory_space<vmem>> -> memref<1x128xi32, #tpu.memory_space<vmem>>
    %dma_start3A_54 = tpu.memref_squeeze %dma_start3A_53 : memref<1x128xi32, #tpu.memory_space<vmem>> -> memref<128xi32, #tpu.memory_space<vmem>>
    %dma_start3A_55 = arith.constant 0 : i32
    %dma_start3A_56 = tpu.memref_slice %arg2[%dma_start3A_55] : memref<1000000xf32, #tpu.memory_space<hbm>> -> memref<1000000xf32, #tpu.memory_space<hbm>>
    tpu.enqueue_indirect_dma source(%dma_start3A_56 : memref<1000000xf32, #tpu.memory_space<hbm>>) target(%dma_start3A_51 : memref<128xf32, #tpu.memory_space<vmem>>) offsets(%dma_start3A_54 : memref<128xi32, #tpu.memory_space<vmem>>) semaphore(%arg13 : memref<!tpu.dma_semaphore, #tpu.memory_space<semaphore_mem>>)
    %dma_start3A_57 = arith.constant 1 : i32
    %dma_start3A_58 = arith.constant 128 : i32
    %dma_start3A_59 = tpu.memref_slice %arg10[%dma_start3A_58] : memref<512xf32, #tpu.memory_space<vmem>> -> memref<128xf32, #tpu.memory_space<vmem>>
    %dma_start3A_60 = arith.constant 0 : i32
    %dma_start3A_61 = tpu.memref_slice %arg8[%dma_start3A_57, %dma_start3A_60] : memref<4x128xi32, #tpu.memory_space<vmem>> -> memref<1x128xi32, #tpu.memory_space<vmem>>
    %dma_start3A_62 = tpu.memref_squeeze %dma_start3A_61 : memref<1x128xi32, #tpu.memory_space<vmem>> -> memref<128xi32, #tpu.memory_space<vmem>>
    %dma_start3A_63 = arith.constant 0 : i32
    %dma_start3A_64 = tpu.memref_slice %arg3[%dma_start3A_63] : memref<1000000xf32, #tpu.memory_space<hbm>> -> memref<1000000xf32, #tpu.memory_space<hbm>>
    tpu.enqueue_indirect_dma source(%dma_start3A_64 : memref<1000000xf32, #tpu.memory_space<hbm>>) target(%dma_start3A_59 : memref<128xf32, #tpu.memory_space<vmem>>) offsets(%dma_start3A_62 : memref<128xi32, #tpu.memory_space<vmem>>) semaphore(%arg13 : memref<!tpu.dma_semaphore, #tpu.memory_space<semaphore_mem>>)
    %dma_start3A_65 = arith.constant 2 : i32
    %dma_start3A_66 = arith.constant 256 : i32
    %dma_start3A_67 = tpu.memref_slice %arg9[%dma_start3A_66] : memref<512xf32, #tpu.memory_space<vmem>> -> memref<128xf32, #tpu.memory_space<vmem>>
    %dma_start3A_68 = arith.constant 0 : i32
    %dma_start3A_69 = tpu.memref_slice %arg7[%dma_start3A_65, %dma_start3A_68] : memref<4x128xi32, #tpu.memory_space<vmem>> -> memref<1x128xi32, #tpu.memory_space<vmem>>
    %dma_start3A_70 = tpu.memref_squeeze %dma_start3A_69 : memref<1x128xi32, #tpu.memory_space<vmem>> -> memref<128xi32, #tpu.memory_space<vmem>>
    %dma_start3A_71 = arith.constant 0 : i32
    %dma_start3A_72 = tpu.memref_slice %arg2[%dma_start3A_71] : memref<1000000xf32, #tpu.memory_space<hbm>> -> memref<1000000xf32, #tpu.memory_space<hbm>>
    tpu.enqueue_indirect_dma source(%dma_start3A_72 : memref<1000000xf32, #tpu.memory_space<hbm>>) target(%dma_start3A_67 : memref<128xf32, #tpu.memory_space<vmem>>) offsets(%dma_start3A_70 : memref<128xi32, #tpu.memory_space<vmem>>) semaphore(%arg13 : memref<!tpu.dma_semaphore, #tpu.memory_space<semaphore_mem>>)
    %dma_start3A_73 = arith.constant 2 : i32
    %dma_start3A_74 = arith.constant 256 : i32
    %dma_start3A_75 = tpu.memref_slice %arg10[%dma_start3A_74] : memref<512xf32, #tpu.memory_space<vmem>> -> memref<128xf32, #tpu.memory_space<vmem>>
    %dma_start3A_76 = arith.constant 0 : i32
    %dma_start3A_77 = tpu.memref_slice %arg8[%dma_start3A_73, %dma_start3A_76] : memref<4x128xi32, #tpu.memory_space<vmem>> -> memref<1x128xi32, #tpu.memory_space<vmem>>
    %dma_start3A_78 = tpu.memref_squeeze %dma_start3A_77 : memref<1x128xi32, #tpu.memory_space<vmem>> -> memref<128xi32, #tpu.memory_space<vmem>>
    %dma_start3A_79 = arith.constant 0 : i32
    %dma_start3A_80 = tpu.memref_slice %arg3[%dma_start3A_79] : memref<1000000xf32, #tpu.memory_space<hbm>> -> memref<1000000xf32, #tpu.memory_space<hbm>>
    tpu.enqueue_indirect_dma source(%dma_start3A_80 : memref<1000000xf32, #tpu.memory_space<hbm>>) target(%dma_start3A_75 : memref<128xf32, #tpu.memory_space<vmem>>) offsets(%dma_start3A_78 : memref<128xi32, #tpu.memory_space<vmem>>) semaphore(%arg13 : memref<!tpu.dma_semaphore, #tpu.memory_space<semaphore_mem>>)
    %dma_start3A_81 = arith.constant 3 : i32
    %dma_start3A_82 = arith.constant 384 : i32
    %dma_start3A_83 = tpu.memref_slice %arg9[%dma_start3A_82] : memref<512xf32, #tpu.memory_space<vmem>> -> memref<128xf32, #tpu.memory_space<vmem>>
    %dma_start3A_84 = arith.constant 0 : i32
    %dma_start3A_85 = tpu.memref_slice %arg7[%dma_start3A_81, %dma_start3A_84] : memref<4x128xi32, #tpu.memory_space<vmem>> -> memref<1x128xi32, #tpu.memory_space<vmem>>
    %dma_start3A_86 = tpu.memref_squeeze %dma_start3A_85 : memref<1x128xi32, #tpu.memory_space<vmem>> -> memref<128xi32, #tpu.memory_space<vmem>>
    %dma_start3A_87 = arith.constant 0 : i32
    %dma_start3A_88 = tpu.memref_slice %arg2[%dma_start3A_87] : memref<1000000xf32, #tpu.memory_space<hbm>> -> memref<1000000xf32, #tpu.memory_space<hbm>>
    tpu.enqueue_indirect_dma source(%dma_start3A_88 : memref<1000000xf32, #tpu.memory_space<hbm>>) target(%dma_start3A_83 : memref<128xf32, #tpu.memory_space<vmem>>) offsets(%dma_start3A_86 : memref<128xi32, #tpu.memory_space<vmem>>) semaphore(%arg13 : memref<!tpu.dma_semaphore, #tpu.memory_space<semaphore_mem>>)
    %dma_start3A_89 = arith.constant 3 : i32
    %dma_start3A_90 = arith.constant 384 : i32
    %dma_start3A_91 = tpu.memref_slice %arg10[%dma_start3A_90] : memref<512xf32, #tpu.memory_space<vmem>> -> memref<128xf32, #tpu.memory_space<vmem>>
    %dma_start3A_92 = arith.constant 0 : i32
    %dma_start3A_93 = tpu.memref_slice %arg8[%dma_start3A_89, %dma_start3A_92] : memref<4x128xi32, #tpu.memory_space<vmem>> -> memref<1x128xi32, #tpu.memory_space<vmem>>
    %dma_start3A_94 = tpu.memref_squeeze %dma_start3A_93 : memref<1x128xi32, #tpu.memory_space<vmem>> -> memref<128xi32, #tpu.memory_space<vmem>>
    %dma_start3A_95 = arith.constant 0 : i32
    %dma_start3A_96 = tpu.memref_slice %arg3[%dma_start3A_95] : memref<1000000xf32, #tpu.memory_space<hbm>> -> memref<1000000xf32, #tpu.memory_space<hbm>>
    tpu.enqueue_indirect_dma source(%dma_start3A_96 : memref<1000000xf32, #tpu.memory_space<hbm>>) target(%dma_start3A_91 : memref<128xf32, #tpu.memory_space<vmem>>) offsets(%dma_start3A_94 : memref<128xi32, #tpu.memory_space<vmem>>) semaphore(%arg13 : memref<!tpu.dma_semaphore, #tpu.memory_space<semaphore_mem>>)
    %dma_wait3A = arith.constant 0 : i32
    %dma_wait3A_97 = arith.constant 0 : i32
    %dma_wait3A_98 = tpu.memref_slice %arg9[%dma_wait3A_97] : memref<512xf32, #tpu.memory_space<vmem>> -> memref<128xf32, #tpu.memory_space<vmem>>
    %dma_wait3A_99 = arith.constant 0 : i32
    %dma_wait3A_100 = tpu.memref_slice %arg7[%dma_wait3A, %dma_wait3A_99] : memref<4x128xi32, #tpu.memory_space<vmem>> -> memref<1x128xi32, #tpu.memory_space<vmem>>
    %dma_wait3A_101 = tpu.memref_squeeze %dma_wait3A_100 : memref<1x128xi32, #tpu.memory_space<vmem>> -> memref<128xi32, #tpu.memory_space<vmem>>
    %dma_wait3A_102 = arith.constant 0 : i32
    %dma_wait3A_103 = tpu.memref_slice %arg2[%dma_wait3A_102] : memref<1000000xf32, #tpu.memory_space<hbm>> -> memref<1000000xf32, #tpu.memory_space<hbm>>
    tpu.wait_indirect_dma semaphore(%arg13 : memref<!tpu.dma_semaphore, #tpu.memory_space<semaphore_mem>>) src(%dma_wait3A_103 : memref<1000000xf32, #tpu.memory_space<hbm>>) dst(%dma_wait3A_98 : memref<128xf32, #tpu.memory_space<vmem>>)
    %dma_wait3A_104 = arith.constant 0 : i32
    %dma_wait3A_105 = arith.constant 0 : i32
    %dma_wait3A_106 = tpu.memref_slice %arg10[%dma_wait3A_105] : memref<512xf32, #tpu.memory_space<vmem>> -> memref<128xf32, #tpu.memory_space<vmem>>
    %dma_wait3A_107 = arith.constant 0 : i32
    %dma_wait3A_108 = tpu.memref_slice %arg8[%dma_wait3A_104, %dma_wait3A_107] : memref<4x128xi32, #tpu.memory_space<vmem>> -> memref<1x128xi32, #tpu.memory_space<vmem>>
    %dma_wait3A_109 = tpu.memref_squeeze %dma_wait3A_108 : memref<1x128xi32, #tpu.memory_space<vmem>> -> memref<128xi32, #tpu.memory_space<vmem>>
    %dma_wait3A_110 = arith.constant 0 : i32
    %dma_wait3A_111 = tpu.memref_slice %arg3[%dma_wait3A_110] : memref<1000000xf32, #tpu.memory_space<hbm>> -> memref<1000000xf32, #tpu.memory_space<hbm>>
    tpu.wait_indirect_dma semaphore(%arg13 : memref<!tpu.dma_semaphore, #tpu.memory_space<semaphore_mem>>) src(%dma_wait3A_111 : memref<1000000xf32, #tpu.memory_space<hbm>>) dst(%dma_wait3A_106 : memref<128xf32, #tpu.memory_space<vmem>>)
    %dma_wait3A_112 = arith.constant 1 : i32
    %dma_wait3A_113 = arith.constant 128 : i32
    %dma_wait3A_114 = tpu.memref_slice %arg9[%dma_wait3A_113] : memref<512xf32, #tpu.memory_space<vmem>> -> memref<128xf32, #tpu.memory_space<vmem>>
    %dma_wait3A_115 = arith.constant 0 : i32
    %dma_wait3A_116 = tpu.memref_slice %arg7[%dma_wait3A_112, %dma_wait3A_115] : memref<4x128xi32, #tpu.memory_space<vmem>> -> memref<1x128xi32, #tpu.memory_space<vmem>>
    %dma_wait3A_117 = tpu.memref_squeeze %dma_wait3A_116 : memref<1x128xi32, #tpu.memory_space<vmem>> -> memref<128xi32, #tpu.memory_space<vmem>>
    %dma_wait3A_118 = arith.constant 0 : i32
    %dma_wait3A_119 = tpu.memref_slice %arg2[%dma_wait3A_118] : memref<1000000xf32, #tpu.memory_space<hbm>> -> memref<1000000xf32, #tpu.memory_space<hbm>>
    tpu.wait_indirect_dma semaphore(%arg13 : memref<!tpu.dma_semaphore, #tpu.memory_space<semaphore_mem>>) src(%dma_wait3A_119 : memref<1000000xf32, #tpu.memory_space<hbm>>) dst(%dma_wait3A_114 : memref<128xf32, #tpu.memory_space<vmem>>)
    %dma_wait3A_120 = arith.constant 1 : i32
    %dma_wait3A_121 = arith.constant 128 : i32
    %dma_wait3A_122 = tpu.memref_slice %arg10[%dma_wait3A_121] : memref<512xf32, #tpu.memory_space<vmem>> -> memref<128xf32, #tpu.memory_space<vmem>>
    %dma_wait3A_123 = arith.constant 0 : i32
    %dma_wait3A_124 = tpu.memref_slice %arg8[%dma_wait3A_120, %dma_wait3A_123] : memref<4x128xi32, #tpu.memory_space<vmem>> -> memref<1x128xi32, #tpu.memory_space<vmem>>
    %dma_wait3A_125 = tpu.memref_squeeze %dma_wait3A_124 : memref<1x128xi32, #tpu.memory_space<vmem>> -> memref<128xi32, #tpu.memory_space<vmem>>
    %dma_wait3A_126 = arith.constant 0 : i32
    %dma_wait3A_127 = tpu.memref_slice %arg3[%dma_wait3A_126] : memref<1000000xf32, #tpu.memory_space<hbm>> -> memref<1000000xf32, #tpu.memory_space<hbm>>
    tpu.wait_indirect_dma semaphore(%arg13 : memref<!tpu.dma_semaphore, #tpu.memory_space<semaphore_mem>>) src(%dma_wait3A_127 : memref<1000000xf32, #tpu.memory_space<hbm>>) dst(%dma_wait3A_122 : memref<128xf32, #tpu.memory_space<vmem>>)
    %dma_wait3A_128 = arith.constant 2 : i32
    %dma_wait3A_129 = arith.constant 256 : i32
    %dma_wait3A_130 = tpu.memref_slice %arg9[%dma_wait3A_129] : memref<512xf32, #tpu.memory_space<vmem>> -> memref<128xf32, #tpu.memory_space<vmem>>
    %dma_wait3A_131 = arith.constant 0 : i32
    %dma_wait3A_132 = tpu.memref_slice %arg7[%dma_wait3A_128, %dma_wait3A_131] : memref<4x128xi32, #tpu.memory_space<vmem>> -> memref<1x128xi32, #tpu.memory_space<vmem>>
    %dma_wait3A_133 = tpu.memref_squeeze %dma_wait3A_132 : memref<1x128xi32, #tpu.memory_space<vmem>> -> memref<128xi32, #tpu.memory_space<vmem>>
    %dma_wait3A_134 = arith.constant 0 : i32
    %dma_wait3A_135 = tpu.memref_slice %arg2[%dma_wait3A_134] : memref<1000000xf32, #tpu.memory_space<hbm>> -> memref<1000000xf32, #tpu.memory_space<hbm>>
    tpu.wait_indirect_dma semaphore(%arg13 : memref<!tpu.dma_semaphore, #tpu.memory_space<semaphore_mem>>) src(%dma_wait3A_135 : memref<1000000xf32, #tpu.memory_space<hbm>>) dst(%dma_wait3A_130 : memref<128xf32, #tpu.memory_space<vmem>>)
    %dma_wait3A_136 = arith.constant 2 : i32
    %dma_wait3A_137 = arith.constant 256 : i32
    %dma_wait3A_138 = tpu.memref_slice %arg10[%dma_wait3A_137] : memref<512xf32, #tpu.memory_space<vmem>> -> memref<128xf32, #tpu.memory_space<vmem>>
    %dma_wait3A_139 = arith.constant 0 : i32
    %dma_wait3A_140 = tpu.memref_slice %arg8[%dma_wait3A_136, %dma_wait3A_139] : memref<4x128xi32, #tpu.memory_space<vmem>> -> memref<1x128xi32, #tpu.memory_space<vmem>>
    %dma_wait3A_141 = tpu.memref_squeeze %dma_wait3A_140 : memref<1x128xi32, #tpu.memory_space<vmem>> -> memref<128xi32, #tpu.memory_space<vmem>>
    %dma_wait3A_142 = arith.constant 0 : i32
    %dma_wait3A_143 = tpu.memref_slice %arg3[%dma_wait3A_142] : memref<1000000xf32, #tpu.memory_space<hbm>> -> memref<1000000xf32, #tpu.memory_space<hbm>>
    tpu.wait_indirect_dma semaphore(%arg13 : memref<!tpu.dma_semaphore, #tpu.memory_space<semaphore_mem>>) src(%dma_wait3A_143 : memref<1000000xf32, #tpu.memory_space<hbm>>) dst(%dma_wait3A_138 : memref<128xf32, #tpu.memory_space<vmem>>)
    %dma_wait3A_144 = arith.constant 3 : i32
    %dma_wait3A_145 = arith.constant 384 : i32
    %dma_wait3A_146 = tpu.memref_slice %arg9[%dma_wait3A_145] : memref<512xf32, #tpu.memory_space<vmem>> -> memref<128xf32, #tpu.memory_space<vmem>>
    %dma_wait3A_147 = arith.constant 0 : i32
    %dma_wait3A_148 = tpu.memref_slice %arg7[%dma_wait3A_144, %dma_wait3A_147] : memref<4x128xi32, #tpu.memory_space<vmem>> -> memref<1x128xi32, #tpu.memory_space<vmem>>
    %dma_wait3A_149 = tpu.memref_squeeze %dma_wait3A_148 : memref<1x128xi32, #tpu.memory_space<vmem>> -> memref<128xi32, #tpu.memory_space<vmem>>
    %dma_wait3A_150 = arith.constant 0 : i32
    %dma_wait3A_151 = tpu.memref_slice %arg2[%dma_wait3A_150] : memref<1000000xf32, #tpu.memory_space<hbm>> -> memref<1000000xf32, #tpu.memory_space<hbm>>
    tpu.wait_indirect_dma semaphore(%arg13 : memref<!tpu.dma_semaphore, #tpu.memory_space<semaphore_mem>>) src(%dma_wait3A_151 : memref<1000000xf32, #tpu.memory_space<hbm>>) dst(%dma_wait3A_146 : memref<128xf32, #tpu.memory_space<vmem>>)
    %dma_wait3A_152 = arith.constant 3 : i32
    %dma_wait3A_153 = arith.constant 384 : i32
    %dma_wait3A_154 = tpu.memref_slice %arg10[%dma_wait3A_153] : memref<512xf32, #tpu.memory_space<vmem>> -> memref<128xf32, #tpu.memory_space<vmem>>
    %dma_wait3A_155 = arith.constant 0 : i32
    %dma_wait3A_156 = tpu.memref_slice %arg8[%dma_wait3A_152, %dma_wait3A_155] : memref<4x128xi32, #tpu.memory_space<vmem>> -> memref<1x128xi32, #tpu.memory_space<vmem>>
    %dma_wait3A_157 = tpu.memref_squeeze %dma_wait3A_156 : memref<1x128xi32, #tpu.memory_space<vmem>> -> memref<128xi32, #tpu.memory_space<vmem>>
    %dma_wait3A_158 = arith.constant 0 : i32
    %dma_wait3A_159 = tpu.memref_slice %arg3[%dma_wait3A_158] : memref<1000000xf32, #tpu.memory_space<hbm>> -> memref<1000000xf32, #tpu.memory_space<hbm>>
    tpu.wait_indirect_dma semaphore(%arg13 : memref<!tpu.dma_semaphore, #tpu.memory_space<semaphore_mem>>) src(%dma_wait3A_159 : memref<1000000xf32, #tpu.memory_space<hbm>>) dst(%dma_wait3A_154 : memref<128xf32, #tpu.memory_space<vmem>>)
    %get3A = arith.constant 0 : index
    %get3A_160 = tpu.vector_load %arg12[%get3A] {strides = array<i32>} : memref<16xf32, #tpu.memory_space<vmem>>, vector<16xf32>,
    %get3A_161 = vector.shape_cast %get3A_160 : vector<16xf32> to vector<16xf32>
    %get3A_162 = arith.constant 0 : index
    %get3A_163 = tpu.vector_load %arg9[%get3A_162] {strides = array<i32>} : memref<512xf32, #tpu.memory_space<vmem>>, vector<16xf32>,
    %get3A_164 = vector.shape_cast %get3A_163 : vector<16xf32> to vector<16xf32>
    %get3A_165 = arith.constant 0 : index
    %get3A_166 = tpu.vector_load %arg10[%get3A_165] {strides = array<i32>} : memref<512xf32, #tpu.memory_space<vmem>>, vector<16xf32>,
    %get3A_167 = vector.shape_cast %get3A_166 : vector<16xf32> to vector<16xf32>
    %add3A_168 = arith.addf %get3A_164, %get3A_167 : vector<16xf32>
    %add3A_169 = arith.addf %add3A_168, %get3A_161 : vector<16xf32>
    %swap3A = arith.constant 0 : index
    %swap3A_170 = tpu.vector_load %arg11[%swap3A] {strides = array<i32>} : memref<512xf32, #tpu.memory_space<vmem>>, vector<16xf32>,
    %swap3A_171 = vector.shape_cast %swap3A_170 : vector<16xf32> to vector<16xf32>
    %swap3A_172 = vector.shape_cast %add3A_169 : vector<16xf32> to vector<16xf32>
    tpu.vector_store %arg11[%swap3A], %swap3A_172 {strides = array<i32>} : memref<512xf32, #tpu.memory_space<vmem>>, vector<16xf32>,
    %get3A_173 = arith.constant 16 : index
    %get3A_174 = tpu.vector_load %arg9[%get3A_173] {strides = array<i32>} : memref<512xf32, #tpu.memory_space<vmem>>, vector<16xf32>,
    %get3A_175 = vector.shape_cast %get3A_174 : vector<16xf32> to vector<16xf32>
    %get3A_176 = arith.constant 16 : index
    %get3A_177 = tpu.vector_load %arg10[%get3A_176] {strides = array<i32>} : memref<512xf32, #tpu.memory_space<vmem>>, vector<16xf32>,
    %get3A_178 = vector.shape_cast %get3A_177 : vector<16xf32> to vector<16xf32>
    %add3A_179 = arith.addf %get3A_175, %get3A_178 : vector<16xf32>
    %add3A_180 = arith.addf %add3A_179, %get3A_161 : vector<16xf32>
    %swap3A_181 = arith.constant 16 : index
    %swap3A_182 = tpu.vector_load %arg11[%swap3A_181] {strides = array<i32>} : memref<512xf32, #tpu.memory_space<vmem>>, vector<16xf32>,
    %swap3A_183 = vector.shape_cast %swap3A_182 : vector<16xf32> to vector<16xf32>
    %swap3A_184 = vector.shape_cast %add3A_180 : vector<16xf32> to vector<16xf32>
    tpu.vector_store %arg11[%swap3A_181], %swap3A_184 {strides = array<i32>} : memref<512xf32, #tpu.memory_space<vmem>>, vector<16xf32>,
    %get3A_185 = arith.constant 32 : index
    %get3A_186 = tpu.vector_load %arg9[%get3A_185] {strides = array<i32>} : memref<512xf32, #tpu.memory_space<vmem>>, vector<16xf32>,
    %get3A_187 = vector.shape_cast %get3A_186 : vector<16xf32> to vector<16xf32>
    %get3A_188 = arith.constant 32 : index
    %get3A_189 = tpu.vector_load %arg10[%get3A_188] {strides = array<i32>} : memref<512xf32, #tpu.memory_space<vmem>>, vector<16xf32>,
    %get3A_190 = vector.shape_cast %get3A_189 : vector<16xf32> to vector<16xf32>
    %add3A_191 = arith.addf %get3A_187, %get3A_190 : vector<16xf32>
    %add3A_192 = arith.addf %add3A_191, %get3A_161 : vector<16xf32>
    %swap3A_193 = arith.constant 32 : index
    %swap3A_194 = tpu.vector_load %arg11[%swap3A_193] {strides = array<i32>} : memref<512xf32, #tpu.memory_space<vmem>>, vector<16xf32>,
    %swap3A_195 = vector.shape_cast %swap3A_194 : vector<16xf32> to vector<16xf32>
    %swap3A_196 = vector.shape_cast %add3A_192 : vector<16xf32> to vector<16xf32>
    tpu.vector_store %arg11[%swap3A_193], %swap3A_196 {strides = array<i32>} : memref<512xf32, #tpu.memory_space<vmem>>, vector<16xf32>,
    %get3A_197 = arith.constant 48 : index
    %get3A_198 = tpu.vector_load %arg9[%get3A_197] {strides = array<i32>} : memref<512xf32, #tpu.memory_space<vmem>>, vector<16xf32>,
    %get3A_199 = vector.shape_cast %get3A_198 : vector<16xf32> to vector<16xf32>
    %get3A_200 = arith.constant 48 : index
    %get3A_201 = tpu.vector_load %arg10[%get3A_200] {strides = array<i32>} : memref<512xf32, #tpu.memory_space<vmem>>, vector<16xf32>,
    %get3A_202 = vector.shape_cast %get3A_201 : vector<16xf32> to vector<16xf32>
    %add3A_203 = arith.addf %get3A_199, %get3A_202 : vector<16xf32>
    %add3A_204 = arith.addf %add3A_203, %get3A_161 : vector<16xf32>
    %swap3A_205 = arith.constant 48 : index
    %swap3A_206 = tpu.vector_load %arg11[%swap3A_205] {strides = array<i32>} : memref<512xf32, #tpu.memory_space<vmem>>, vector<16xf32>,
    %swap3A_207 = vector.shape_cast %swap3A_206 : vector<16xf32> to vector<16xf32>
    %swap3A_208 = vector.shape_cast %add3A_204 : vector<16xf32> to vector<16xf32>
    tpu.vector_store %arg11[%swap3A_205], %swap3A_208 {strides = array<i32>} : memref<512xf32, #tpu.memory_space<vmem>>, vector<16xf32>,
    %get3A_209 = arith.constant 64 : index
    %get3A_210 = tpu.vector_load %arg9[%get3A_209] {strides = array<i32>} : memref<512xf32, #tpu.memory_space<vmem>>, vector<16xf32>,
    %get3A_211 = vector.shape_cast %get3A_210 : vector<16xf32> to vector<16xf32>
    %get3A_212 = arith.constant 64 : index
    %get3A_213 = tpu.vector_load %arg10[%get3A_212] {strides = array<i32>} : memref<512xf32, #tpu.memory_space<vmem>>, vector<16xf32>,
    %get3A_214 = vector.shape_cast %get3A_213 : vector<16xf32> to vector<16xf32>
    %add3A_215 = arith.addf %get3A_211, %get3A_214 : vector<16xf32>
    %add3A_216 = arith.addf %add3A_215, %get3A_161 : vector<16xf32>
    %swap3A_217 = arith.constant 64 : index
    %swap3A_218 = tpu.vector_load %arg11[%swap3A_217] {strides = array<i32>} : memref<512xf32, #tpu.memory_space<vmem>>, vector<16xf32>,
    %swap3A_219 = vector.shape_cast %swap3A_218 : vector<16xf32> to vector<16xf32>
    %swap3A_220 = vector.shape_cast %add3A_216 : vector<16xf32> to vector<16xf32>
    tpu.vector_store %arg11[%swap3A_217], %swap3A_220 {strides = array<i32>} : memref<512xf32, #tpu.memory_space<vmem>>, vector<16xf32>,
    %get3A_221 = arith.constant 80 : index
    %get3A_222 = tpu.vector_load %arg9[%get3A_221] {strides = array<i32>} : memref<512xf32, #tpu.memory_space<vmem>>, vector<16xf32>,
    %get3A_223 = vector.shape_cast %get3A_222 : vector<16xf32> to vector<16xf32>
    %get3A_224 = arith.constant 80 : index
    %get3A_225 = tpu.vector_load %arg10[%get3A_224] {strides = array<i32>} : memref<512xf32, #tpu.memory_space<vmem>>, vector<16xf32>,
    %get3A_226 = vector.shape_cast %get3A_225 : vector<16xf32> to vector<16xf32>
    %add3A_227 = arith.addf %get3A_223, %get3A_226 : vector<16xf32>
    %add3A_228 = arith.addf %add3A_227, %get3A_161 : vector<16xf32>
    %swap3A_229 = arith.constant 80 : index
    %swap3A_230 = tpu.vector_load %arg11[%swap3A_229] {strides = array<i32>} : memref<512xf32, #tpu.memory_space<vmem>>, vector<16xf32>,
    %swap3A_231 = vector.shape_cast %swap3A_230 : vector<16xf32> to vector<16xf32>
    %swap3A_232 = vector.shape_cast %add3A_228 : vector<16xf32> to vector<16xf32>
    tpu.vector_store %arg11[%swap3A_229], %swap3A_232 {strides = array<i32>} : memref<512xf32, #tpu.memory_space<vmem>>, vector<16xf32>,
    %get3A_233 = arith.constant 96 : index
    %get3A_234 = tpu.vector_load %arg9[%get3A_233] {strides = array<i32>} : memref<512xf32, #tpu.memory_space<vmem>>, vector<16xf32>,
    %get3A_235 = vector.shape_cast %get3A_234 : vector<16xf32> to vector<16xf32>
    %get3A_236 = arith.constant 96 : index
    %get3A_237 = tpu.vector_load %arg10[%get3A_236] {strides = array<i32>} : memref<512xf32, #tpu.memory_space<vmem>>, vector<16xf32>,
    %get3A_238 = vector.shape_cast %get3A_237 : vector<16xf32> to vector<16xf32>
    %add3A_239 = arith.addf %get3A_235, %get3A_238 : vector<16xf32>
    %add3A_240 = arith.addf %add3A_239, %get3A_161 : vector<16xf32>
    %swap3A_241 = arith.constant 96 : index
    %swap3A_242 = tpu.vector_load %arg11[%swap3A_241] {strides = array<i32>} : memref<512xf32, #tpu.memory_space<vmem>>, vector<16xf32>,
    %swap3A_243 = vector.shape_cast %swap3A_242 : vector<16xf32> to vector<16xf32>
    %swap3A_244 = vector.shape_cast %add3A_240 : vector<16xf32> to vector<16xf32>
    tpu.vector_store %arg11[%swap3A_241], %swap3A_244 {strides = array<i32>} : memref<512xf32, #tpu.memory_space<vmem>>, vector<16xf32>,
    %get3A_245 = arith.constant 112 : index
    %get3A_246 = tpu.vector_load %arg9[%get3A_245] {strides = array<i32>} : memref<512xf32, #tpu.memory_space<vmem>>, vector<16xf32>,
    %get3A_247 = vector.shape_cast %get3A_246 : vector<16xf32> to vector<16xf32>
    %get3A_248 = arith.constant 112 : index
    %get3A_249 = tpu.vector_load %arg10[%get3A_248] {strides = array<i32>} : memref<512xf32, #tpu.memory_space<vmem>>, vector<16xf32>,
    %get3A_250 = vector.shape_cast %get3A_249 : vector<16xf32> to vector<16xf32>
    %add3A_251 = arith.addf %get3A_247, %get3A_250 : vector<16xf32>
    %add3A_252 = arith.addf %add3A_251, %get3A_161 : vector<16xf32>
    %swap3A_253 = arith.constant 112 : index
    %swap3A_254 = tpu.vector_load %arg11[%swap3A_253] {strides = array<i32>} : memref<512xf32, #tpu.memory_space<vmem>>, vector<16xf32>,
    %swap3A_255 = vector.shape_cast %swap3A_254 : vector<16xf32> to vector<16xf32>
    %swap3A_256 = vector.shape_cast %add3A_252 : vector<16xf32> to vector<16xf32>
    tpu.vector_store %arg11[%swap3A_253], %swap3A_256 {strides = array<i32>} : memref<512xf32, #tpu.memory_space<vmem>>, vector<16xf32>,
    %get3A_257 = arith.constant 128 : index
    %get3A_258 = tpu.vector_load %arg9[%get3A_257] {strides = array<i32>} : memref<512xf32, #tpu.memory_space<vmem>>, vector<16xf32>,
    %get3A_259 = vector.shape_cast %get3A_258 : vector<16xf32> to vector<16xf32>
    %get3A_260 = arith.constant 128 : index
    %get3A_261 = tpu.vector_load %arg10[%get3A_260] {strides = array<i32>} : memref<512xf32, #tpu.memory_space<vmem>>, vector<16xf32>,
    %get3A_262 = vector.shape_cast %get3A_261 : vector<16xf32> to vector<16xf32>
    %add3A_263 = arith.addf %get3A_259, %get3A_262 : vector<16xf32>
    %add3A_264 = arith.addf %add3A_263, %get3A_161 : vector<16xf32>
    %swap3A_265 = arith.constant 128 : index
    %swap3A_266 = tpu.vector_load %arg11[%swap3A_265] {strides = array<i32>} : memref<512xf32, #tpu.memory_space<vmem>>, vector<16xf32>,
    %swap3A_267 = vector.shape_cast %swap3A_266 : vector<16xf32> to vector<16xf32>
    %swap3A_268 = vector.shape_cast %add3A_264 : vector<16xf32> to vector<16xf32>
    tpu.vector_store %arg11[%swap3A_265], %swap3A_268 {strides = array<i32>} : memref<512xf32, #tpu.memory_space<vmem>>, vector<16xf32>,
    %get3A_269 = arith.constant 144 : index
    %get3A_270 = tpu.vector_load %arg9[%get3A_269] {strides = array<i32>} : memref<512xf32, #tpu.memory_space<vmem>>, vector<16xf32>,
    %get3A_271 = vector.shape_cast %get3A_270 : vector<16xf32> to vector<16xf32>
    %get3A_272 = arith.constant 144 : index
    %get3A_273 = tpu.vector_load %arg10[%get3A_272] {strides = array<i32>} : memref<512xf32, #tpu.memory_space<vmem>>, vector<16xf32>,
    %get3A_274 = vector.shape_cast %get3A_273 : vector<16xf32> to vector<16xf32>
    %add3A_275 = arith.addf %get3A_271, %get3A_274 : vector<16xf32>
    %add3A_276 = arith.addf %add3A_275, %get3A_161 : vector<16xf32>
    %swap3A_277 = arith.constant 144 : index
    %swap3A_278 = tpu.vector_load %arg11[%swap3A_277] {strides = array<i32>} : memref<512xf32, #tpu.memory_space<vmem>>, vector<16xf32>,
    %swap3A_279 = vector.shape_cast %swap3A_278 : vector<16xf32> to vector<16xf32>
    %swap3A_280 = vector.shape_cast %add3A_276 : vector<16xf32> to vector<16xf32>
    tpu.vector_store %arg11[%swap3A_277], %swap3A_280 {strides = array<i32>} : memref<512xf32, #tpu.memory_space<vmem>>, vector<16xf32>,
    %get3A_281 = arith.constant 160 : index
    %get3A_282 = tpu.vector_load %arg9[%get3A_281] {strides = array<i32>} : memref<512xf32, #tpu.memory_space<vmem>>, vector<16xf32>,
    %get3A_283 = vector.shape_cast %get3A_282 : vector<16xf32> to vector<16xf32>
    %get3A_284 = arith.constant 160 : index
    %get3A_285 = tpu.vector_load %arg10[%get3A_284] {strides = array<i32>} : memref<512xf32, #tpu.memory_space<vmem>>, vector<16xf32>,
    %get3A_286 = vector.shape_cast %get3A_285 : vector<16xf32> to vector<16xf32>
    %add3A_287 = arith.addf %get3A_283, %get3A_286 : vector<16xf32>
    %add3A_288 = arith.addf %add3A_287, %get3A_161 : vector<16xf32>
    %swap3A_289 = arith.constant 160 : index
    %swap3A_290 = tpu.vector_load %arg11[%swap3A_289] {strides = array<i32>} : memref<512xf32, #tpu.memory_space<vmem>>, vector<16xf32>,
    %swap3A_291 = vector.shape_cast %swap3A_290 : vector<16xf32> to vector<16xf32>
    %swap3A_292 = vector.shape_cast %add3A_288 : vector<16xf32> to vector<16xf32>
    tpu.vector_store %arg11[%swap3A_289], %swap3A_292 {strides = array<i32>} : memref<512xf32, #tpu.memory_space<vmem>>, vector<16xf32>,
    %get3A_293 = arith.constant 176 : index
    %get3A_294 = tpu.vector_load %arg9[%get3A_293] {strides = array<i32>} : memref<512xf32, #tpu.memory_space<vmem>>, vector<16xf32>,
    %get3A_295 = vector.shape_cast %get3A_294 : vector<16xf32> to vector<16xf32>
    %get3A_296 = arith.constant 176 : index
    %get3A_297 = tpu.vector_load %arg10[%get3A_296] {strides = array<i32>} : memref<512xf32, #tpu.memory_space<vmem>>, vector<16xf32>,
    %get3A_298 = vector.shape_cast %get3A_297 : vector<16xf32> to vector<16xf32>
    %add3A_299 = arith.addf %get3A_295, %get3A_298 : vector<16xf32>
    %add3A_300 = arith.addf %add3A_299, %get3A_161 : vector<16xf32>
    %swap3A_301 = arith.constant 176 : index
    %swap3A_302 = tpu.vector_load %arg11[%swap3A_301] {strides = array<i32>} : memref<512xf32, #tpu.memory_space<vmem>>, vector<16xf32>,
    %swap3A_303 = vector.shape_cast %swap3A_302 : vector<16xf32> to vector<16xf32>
    %swap3A_304 = vector.shape_cast %add3A_300 : vector<16xf32> to vector<16xf32>
    tpu.vector_store %arg11[%swap3A_301], %swap3A_304 {strides = array<i32>} : memref<512xf32, #tpu.memory_space<vmem>>, vector<16xf32>,
    %get3A_305 = arith.constant 192 : index
    %get3A_306 = tpu.vector_load %arg9[%get3A_305] {strides = array<i32>} : memref<512xf32, #tpu.memory_space<vmem>>, vector<16xf32>,
    %get3A_307 = vector.shape_cast %get3A_306 : vector<16xf32> to vector<16xf32>
    %get3A_308 = arith.constant 192 : index
    %get3A_309 = tpu.vector_load %arg10[%get3A_308] {strides = array<i32>} : memref<512xf32, #tpu.memory_space<vmem>>, vector<16xf32>,
    %get3A_310 = vector.shape_cast %get3A_309 : vector<16xf32> to vector<16xf32>
    %add3A_311 = arith.addf %get3A_307, %get3A_310 : vector<16xf32>
    %add3A_312 = arith.addf %add3A_311, %get3A_161 : vector<16xf32>
    %swap3A_313 = arith.constant 192 : index
    %swap3A_314 = tpu.vector_load %arg11[%swap3A_313] {strides = array<i32>} : memref<512xf32, #tpu.memory_space<vmem>>, vector<16xf32>,
    %swap3A_315 = vector.shape_cast %swap3A_314 : vector<16xf32> to vector<16xf32>
    %swap3A_316 = vector.shape_cast %add3A_312 : vector<16xf32> to vector<16xf32>
    tpu.vector_store %arg11[%swap3A_313], %swap3A_316 {strides = array<i32>} : memref<512xf32, #tpu.memory_space<vmem>>, vector<16xf32>,
    %get3A_317 = arith.constant 208 : index
    %get3A_318 = tpu.vector_load %arg9[%get3A_317] {strides = array<i32>} : memref<512xf32, #tpu.memory_space<vmem>>, vector<16xf32>,
    %get3A_319 = vector.shape_cast %get3A_318 : vector<16xf32> to vector<16xf32>
    %get3A_320 = arith.constant 208 : index
    %get3A_321 = tpu.vector_load %arg10[%get3A_320] {strides = array<i32>} : memref<512xf32, #tpu.memory_space<vmem>>, vector<16xf32>,
    %get3A_322 = vector.shape_cast %get3A_321 : vector<16xf32> to vector<16xf32>
    %add3A_323 = arith.addf %get3A_319, %get3A_322 : vector<16xf32>
    %add3A_324 = arith.addf %add3A_323, %get3A_161 : vector<16xf32>
    %swap3A_325 = arith.constant 208 : index
    %swap3A_326 = tpu.vector_load %arg11[%swap3A_325] {strides = array<i32>} : memref<512xf32, #tpu.memory_space<vmem>>, vector<16xf32>,
    %swap3A_327 = vector.shape_cast %swap3A_326 : vector<16xf32> to vector<16xf32>
    %swap3A_328 = vector.shape_cast %add3A_324 : vector<16xf32> to vector<16xf32>
    tpu.vector_store %arg11[%swap3A_325], %swap3A_328 {strides = array<i32>} : memref<512xf32, #tpu.memory_space<vmem>>, vector<16xf32>,
    %get3A_329 = arith.constant 224 : index
    %get3A_330 = tpu.vector_load %arg9[%get3A_329] {strides = array<i32>} : memref<512xf32, #tpu.memory_space<vmem>>, vector<16xf32>,
    %get3A_331 = vector.shape_cast %get3A_330 : vector<16xf32> to vector<16xf32>
    %get3A_332 = arith.constant 224 : index
    %get3A_333 = tpu.vector_load %arg10[%get3A_332] {strides = array<i32>} : memref<512xf32, #tpu.memory_space<vmem>>, vector<16xf32>,
    %get3A_334 = vector.shape_cast %get3A_333 : vector<16xf32> to vector<16xf32>
    %add3A_335 = arith.addf %get3A_331, %get3A_334 : vector<16xf32>
    %add3A_336 = arith.addf %add3A_335, %get3A_161 : vector<16xf32>
    %swap3A_337 = arith.constant 224 : index
    %swap3A_338 = tpu.vector_load %arg11[%swap3A_337] {strides = array<i32>} : memref<512xf32, #tpu.memory_space<vmem>>, vector<16xf32>,
    %swap3A_339 = vector.shape_cast %swap3A_338 : vector<16xf32> to vector<16xf32>
    %swap3A_340 = vector.shape_cast %add3A_336 : vector<16xf32> to vector<16xf32>
    tpu.vector_store %arg11[%swap3A_337], %swap3A_340 {strides = array<i32>} : memref<512xf32, #tpu.memory_space<vmem>>, vector<16xf32>,
    %get3A_341 = arith.constant 240 : index
    %get3A_342 = tpu.vector_load %arg9[%get3A_341] {strides = array<i32>} : memref<512xf32, #tpu.memory_space<vmem>>, vector<16xf32>,
    %get3A_343 = vector.shape_cast %get3A_342 : vector<16xf32> to vector<16xf32>
    %get3A_344 = arith.constant 240 : index
    %get3A_345 = tpu.vector_load %arg10[%get3A_344] {strides = array<i32>} : memref<512xf32, #tpu.memory_space<vmem>>, vector<16xf32>,
    %get3A_346 = vector.shape_cast %get3A_345 : vector<16xf32> to vector<16xf32>
    %add3A_347 = arith.addf %get3A_343, %get3A_346 : vector<16xf32>
    %add3A_348 = arith.addf %add3A_347, %get3A_161 : vector<16xf32>
    %swap3A_349 = arith.constant 240 : index
    %swap3A_350 = tpu.vector_load %arg11[%swap3A_349] {strides = array<i32>} : memref<512xf32, #tpu.memory_space<vmem>>, vector<16xf32>,
    %swap3A_351 = vector.shape_cast %swap3A_350 : vector<16xf32> to vector<16xf32>
    %swap3A_352 = vector.shape_cast %add3A_348 : vector<16xf32> to vector<16xf32>
    tpu.vector_store %arg11[%swap3A_349], %swap3A_352 {strides = array<i32>} : memref<512xf32, #tpu.memory_space<vmem>>, vector<16xf32>,
    %get3A_353 = arith.constant 256 : index
    %get3A_354 = tpu.vector_load %arg9[%get3A_353] {strides = array<i32>} : memref<512xf32, #tpu.memory_space<vmem>>, vector<16xf32>,
    %get3A_355 = vector.shape_cast %get3A_354 : vector<16xf32> to vector<16xf32>
    %get3A_356 = arith.constant 256 : index
    %get3A_357 = tpu.vector_load %arg10[%get3A_356] {strides = array<i32>} : memref<512xf32, #tpu.memory_space<vmem>>, vector<16xf32>,
    %get3A_358 = vector.shape_cast %get3A_357 : vector<16xf32> to vector<16xf32>
    %add3A_359 = arith.addf %get3A_355, %get3A_358 : vector<16xf32>
    %add3A_360 = arith.addf %add3A_359, %get3A_161 : vector<16xf32>
    %swap3A_361 = arith.constant 256 : index
    %swap3A_362 = tpu.vector_load %arg11[%swap3A_361] {strides = array<i32>} : memref<512xf32, #tpu.memory_space<vmem>>, vector<16xf32>,
    %swap3A_363 = vector.shape_cast %swap3A_362 : vector<16xf32> to vector<16xf32>
    %swap3A_364 = vector.shape_cast %add3A_360 : vector<16xf32> to vector<16xf32>
    tpu.vector_store %arg11[%swap3A_361], %swap3A_364 {strides = array<i32>} : memref<512xf32, #tpu.memory_space<vmem>>, vector<16xf32>,
    %get3A_365 = arith.constant 272 : index
    %get3A_366 = tpu.vector_load %arg9[%get3A_365] {strides = array<i32>} : memref<512xf32, #tpu.memory_space<vmem>>, vector<16xf32>,
    %get3A_367 = vector.shape_cast %get3A_366 : vector<16xf32> to vector<16xf32>
    %get3A_368 = arith.constant 272 : index
    %get3A_369 = tpu.vector_load %arg10[%get3A_368] {strides = array<i32>} : memref<512xf32, #tpu.memory_space<vmem>>, vector<16xf32>,
    %get3A_370 = vector.shape_cast %get3A_369 : vector<16xf32> to vector<16xf32>
    %add3A_371 = arith.addf %get3A_367, %get3A_370 : vector<16xf32>
    %add3A_372 = arith.addf %add3A_371, %get3A_161 : vector<16xf32>
    %swap3A_373 = arith.constant 272 : index
    %swap3A_374 = tpu.vector_load %arg11[%swap3A_373] {strides = array<i32>} : memref<512xf32, #tpu.memory_space<vmem>>, vector<16xf32>,
    %swap3A_375 = vector.shape_cast %swap3A_374 : vector<16xf32> to vector<16xf32>
    %swap3A_376 = vector.shape_cast %add3A_372 : vector<16xf32> to vector<16xf32>
    tpu.vector_store %arg11[%swap3A_373], %swap3A_376 {strides = array<i32>} : memref<512xf32, #tpu.memory_space<vmem>>, vector<16xf32>,
    %get3A_377 = arith.constant 288 : index
    %get3A_378 = tpu.vector_load %arg9[%get3A_377] {strides = array<i32>} : memref<512xf32, #tpu.memory_space<vmem>>, vector<16xf32>,
    %get3A_379 = vector.shape_cast %get3A_378 : vector<16xf32> to vector<16xf32>
    %get3A_380 = arith.constant 288 : index
    %get3A_381 = tpu.vector_load %arg10[%get3A_380] {strides = array<i32>} : memref<512xf32, #tpu.memory_space<vmem>>, vector<16xf32>,
    %get3A_382 = vector.shape_cast %get3A_381 : vector<16xf32> to vector<16xf32>
    %add3A_383 = arith.addf %get3A_379, %get3A_382 : vector<16xf32>
    %add3A_384 = arith.addf %add3A_383, %get3A_161 : vector<16xf32>
    %swap3A_385 = arith.constant 288 : index
    %swap3A_386 = tpu.vector_load %arg11[%swap3A_385] {strides = array<i32>} : memref<512xf32, #tpu.memory_space<vmem>>, vector<16xf32>,
    %swap3A_387 = vector.shape_cast %swap3A_386 : vector<16xf32> to vector<16xf32>
    %swap3A_388 = vector.shape_cast %add3A_384 : vector<16xf32> to vector<16xf32>
    tpu.vector_store %arg11[%swap3A_385], %swap3A_388 {strides = array<i32>} : memref<512xf32, #tpu.memory_space<vmem>>, vector<16xf32>,
    %get3A_389 = arith.constant 304 : index
    %get3A_390 = tpu.vector_load %arg9[%get3A_389] {strides = array<i32>} : memref<512xf32, #tpu.memory_space<vmem>>, vector<16xf32>,
    %get3A_391 = vector.shape_cast %get3A_390 : vector<16xf32> to vector<16xf32>
    %get3A_392 = arith.constant 304 : index
    %get3A_393 = tpu.vector_load %arg10[%get3A_392] {strides = array<i32>} : memref<512xf32, #tpu.memory_space<vmem>>, vector<16xf32>,
    %get3A_394 = vector.shape_cast %get3A_393 : vector<16xf32> to vector<16xf32>
    %add3A_395 = arith.addf %get3A_391, %get3A_394 : vector<16xf32>
    %add3A_396 = arith.addf %add3A_395, %get3A_161 : vector<16xf32>
    %swap3A_397 = arith.constant 304 : index
    %swap3A_398 = tpu.vector_load %arg11[%swap3A_397] {strides = array<i32>} : memref<512xf32, #tpu.memory_space<vmem>>, vector<16xf32>,
    %swap3A_399 = vector.shape_cast %swap3A_398 : vector<16xf32> to vector<16xf32>
    %swap3A_400 = vector.shape_cast %add3A_396 : vector<16xf32> to vector<16xf32>
    tpu.vector_store %arg11[%swap3A_397], %swap3A_400 {strides = array<i32>} : memref<512xf32, #tpu.memory_space<vmem>>, vector<16xf32>,
    %get3A_401 = arith.constant 320 : index
    %get3A_402 = tpu.vector_load %arg9[%get3A_401] {strides = array<i32>} : memref<512xf32, #tpu.memory_space<vmem>>, vector<16xf32>,
    %get3A_403 = vector.shape_cast %get3A_402 : vector<16xf32> to vector<16xf32>
    %get3A_404 = arith.constant 320 : index
    %get3A_405 = tpu.vector_load %arg10[%get3A_404] {strides = array<i32>} : memref<512xf32, #tpu.memory_space<vmem>>, vector<16xf32>,
    %get3A_406 = vector.shape_cast %get3A_405 : vector<16xf32> to vector<16xf32>
    %add3A_407 = arith.addf %get3A_403, %get3A_406 : vector<16xf32>
    %add3A_408 = arith.addf %add3A_407, %get3A_161 : vector<16xf32>
    %swap3A_409 = arith.constant 320 : index
    %swap3A_410 = tpu.vector_load %arg11[%swap3A_409] {strides = array<i32>} : memref<512xf32, #tpu.memory_space<vmem>>, vector<16xf32>,
    %swap3A_411 = vector.shape_cast %swap3A_410 : vector<16xf32> to vector<16xf32>
    %swap3A_412 = vector.shape_cast %add3A_408 : vector<16xf32> to vector<16xf32>
    tpu.vector_store %arg11[%swap3A_409], %swap3A_412 {strides = array<i32>} : memref<512xf32, #tpu.memory_space<vmem>>, vector<16xf32>,
    %get3A_413 = arith.constant 336 : index
    %get3A_414 = tpu.vector_load %arg9[%get3A_413] {strides = array<i32>} : memref<512xf32, #tpu.memory_space<vmem>>, vector<16xf32>,
    %get3A_415 = vector.shape_cast %get3A_414 : vector<16xf32> to vector<16xf32>
    %get3A_416 = arith.constant 336 : index
    %get3A_417 = tpu.vector_load %arg10[%get3A_416] {strides = array<i32>} : memref<512xf32, #tpu.memory_space<vmem>>, vector<16xf32>,
    %get3A_418 = vector.shape_cast %get3A_417 : vector<16xf32> to vector<16xf32>
    %add3A_419 = arith.addf %get3A_415, %get3A_418 : vector<16xf32>
    %add3A_420 = arith.addf %add3A_419, %get3A_161 : vector<16xf32>
    %swap3A_421 = arith.constant 336 : index
    %swap3A_422 = tpu.vector_load %arg11[%swap3A_421] {strides = array<i32>} : memref<512xf32, #tpu.memory_space<vmem>>, vector<16xf32>,
    %swap3A_423 = vector.shape_cast %swap3A_422 : vector<16xf32> to vector<16xf32>
    %swap3A_424 = vector.shape_cast %add3A_420 : vector<16xf32> to vector<16xf32>
    tpu.vector_store %arg11[%swap3A_421], %swap3A_424 {strides = array<i32>} : memref<512xf32, #tpu.memory_space<vmem>>, vector<16xf32>,
    %get3A_425 = arith.constant 352 : index
    %get3A_426 = tpu.vector_load %arg9[%get3A_425] {strides = array<i32>} : memref<512xf32, #tpu.memory_space<vmem>>, vector<16xf32>,
    %get3A_427 = vector.shape_cast %get3A_426 : vector<16xf32> to vector<16xf32>
    %get3A_428 = arith.constant 352 : index
    %get3A_429 = tpu.vector_load %arg10[%get3A_428] {strides = array<i32>} : memref<512xf32, #tpu.memory_space<vmem>>, vector<16xf32>,
    %get3A_430 = vector.shape_cast %get3A_429 : vector<16xf32> to vector<16xf32>
    %add3A_431 = arith.addf %get3A_427, %get3A_430 : vector<16xf32>
    %add3A_432 = arith.addf %add3A_431, %get3A_161 : vector<16xf32>
    %swap3A_433 = arith.constant 352 : index
    %swap3A_434 = tpu.vector_load %arg11[%swap3A_433] {strides = array<i32>} : memref<512xf32, #tpu.memory_space<vmem>>, vector<16xf32>,
    %swap3A_435 = vector.shape_cast %swap3A_434 : vector<16xf32> to vector<16xf32>
    %swap3A_436 = vector.shape_cast %add3A_432 : vector<16xf32> to vector<16xf32>
    tpu.vector_store %arg11[%swap3A_433], %swap3A_436 {strides = array<i32>} : memref<512xf32, #tpu.memory_space<vmem>>, vector<16xf32>,
    %get3A_437 = arith.constant 368 : index
    %get3A_438 = tpu.vector_load %arg9[%get3A_437] {strides = array<i32>} : memref<512xf32, #tpu.memory_space<vmem>>, vector<16xf32>,
    %get3A_439 = vector.shape_cast %get3A_438 : vector<16xf32> to vector<16xf32>
    %get3A_440 = arith.constant 368 : index
    %get3A_441 = tpu.vector_load %arg10[%get3A_440] {strides = array<i32>} : memref<512xf32, #tpu.memory_space<vmem>>, vector<16xf32>,
    %get3A_442 = vector.shape_cast %get3A_441 : vector<16xf32> to vector<16xf32>
    %add3A_443 = arith.addf %get3A_439, %get3A_442 : vector<16xf32>
    %add3A_444 = arith.addf %add3A_443, %get3A_161 : vector<16xf32>
    %swap3A_445 = arith.constant 368 : index
    %swap3A_446 = tpu.vector_load %arg11[%swap3A_445] {strides = array<i32>} : memref<512xf32, #tpu.memory_space<vmem>>, vector<16xf32>,
    %swap3A_447 = vector.shape_cast %swap3A_446 : vector<16xf32> to vector<16xf32>
    %swap3A_448 = vector.shape_cast %add3A_444 : vector<16xf32> to vector<16xf32>
    tpu.vector_store %arg11[%swap3A_445], %swap3A_448 {strides = array<i32>} : memref<512xf32, #tpu.memory_space<vmem>>, vector<16xf32>,
    %get3A_449 = arith.constant 384 : index
    %get3A_450 = tpu.vector_load %arg9[%get3A_449] {strides = array<i32>} : memref<512xf32, #tpu.memory_space<vmem>>, vector<16xf32>,
    %get3A_451 = vector.shape_cast %get3A_450 : vector<16xf32> to vector<16xf32>
    %get3A_452 = arith.constant 384 : index
    %get3A_453 = tpu.vector_load %arg10[%get3A_452] {strides = array<i32>} : memref<512xf32, #tpu.memory_space<vmem>>, vector<16xf32>,
    %get3A_454 = vector.shape_cast %get3A_453 : vector<16xf32> to vector<16xf32>
    %add3A_455 = arith.addf %get3A_451, %get3A_454 : vector<16xf32>
    %add3A_456 = arith.addf %add3A_455, %get3A_161 : vector<16xf32>
    %swap3A_457 = arith.constant 384 : index
    %swap3A_458 = tpu.vector_load %arg11[%swap3A_457] {strides = array<i32>} : memref<512xf32, #tpu.memory_space<vmem>>, vector<16xf32>,
    %swap3A_459 = vector.shape_cast %swap3A_458 : vector<16xf32> to vector<16xf32>
    %swap3A_460 = vector.shape_cast %add3A_456 : vector<16xf32> to vector<16xf32>
    tpu.vector_store %arg11[%swap3A_457], %swap3A_460 {strides = array<i32>} : memref<512xf32, #tpu.memory_space<vmem>>, vector<16xf32>,
    %get3A_461 = arith.constant 400 : index
    %get3A_462 = tpu.vector_load %arg9[%get3A_461] {strides = array<i32>} : memref<512xf32, #tpu.memory_space<vmem>>, vector<16xf32>,
    %get3A_463 = vector.shape_cast %get3A_462 : vector<16xf32> to vector<16xf32>
    %get3A_464 = arith.constant 400 : index
    %get3A_465 = tpu.vector_load %arg10[%get3A_464] {strides = array<i32>} : memref<512xf32, #tpu.memory_space<vmem>>, vector<16xf32>,
    %get3A_466 = vector.shape_cast %get3A_465 : vector<16xf32> to vector<16xf32>
    %add3A_467 = arith.addf %get3A_463, %get3A_466 : vector<16xf32>
    %add3A_468 = arith.addf %add3A_467, %get3A_161 : vector<16xf32>
    %swap3A_469 = arith.constant 400 : index
    %swap3A_470 = tpu.vector_load %arg11[%swap3A_469] {strides = array<i32>} : memref<512xf32, #tpu.memory_space<vmem>>, vector<16xf32>,
    %swap3A_471 = vector.shape_cast %swap3A_470 : vector<16xf32> to vector<16xf32>
    %swap3A_472 = vector.shape_cast %add3A_468 : vector<16xf32> to vector<16xf32>
    tpu.vector_store %arg11[%swap3A_469], %swap3A_472 {strides = array<i32>} : memref<512xf32, #tpu.memory_space<vmem>>, vector<16xf32>,
    %get3A_473 = arith.constant 416 : index
    %get3A_474 = tpu.vector_load %arg9[%get3A_473] {strides = array<i32>} : memref<512xf32, #tpu.memory_space<vmem>>, vector<16xf32>,
    %get3A_475 = vector.shape_cast %get3A_474 : vector<16xf32> to vector<16xf32>
    %get3A_476 = arith.constant 416 : index
    %get3A_477 = tpu.vector_load %arg10[%get3A_476] {strides = array<i32>} : memref<512xf32, #tpu.memory_space<vmem>>, vector<16xf32>,
    %get3A_478 = vector.shape_cast %get3A_477 : vector<16xf32> to vector<16xf32>
    %add3A_479 = arith.addf %get3A_475, %get3A_478 : vector<16xf32>
    %add3A_480 = arith.addf %add3A_479, %get3A_161 : vector<16xf32>
    %swap3A_481 = arith.constant 416 : index
    %swap3A_482 = tpu.vector_load %arg11[%swap3A_481] {strides = array<i32>} : memref<512xf32, #tpu.memory_space<vmem>>, vector<16xf32>,
    %swap3A_483 = vector.shape_cast %swap3A_482 : vector<16xf32> to vector<16xf32>
    %swap3A_484 = vector.shape_cast %add3A_480 : vector<16xf32> to vector<16xf32>
    tpu.vector_store %arg11[%swap3A_481], %swap3A_484 {strides = array<i32>} : memref<512xf32, #tpu.memory_space<vmem>>, vector<16xf32>,
    %get3A_485 = arith.constant 432 : index
    %get3A_486 = tpu.vector_load %arg9[%get3A_485] {strides = array<i32>} : memref<512xf32, #tpu.memory_space<vmem>>, vector<16xf32>,
    %get3A_487 = vector.shape_cast %get3A_486 : vector<16xf32> to vector<16xf32>
    %get3A_488 = arith.constant 432 : index
    %get3A_489 = tpu.vector_load %arg10[%get3A_488] {strides = array<i32>} : memref<512xf32, #tpu.memory_space<vmem>>, vector<16xf32>,
    %get3A_490 = vector.shape_cast %get3A_489 : vector<16xf32> to vector<16xf32>
    %add3A_491 = arith.addf %get3A_487, %get3A_490 : vector<16xf32>
    %add3A_492 = arith.addf %add3A_491, %get3A_161 : vector<16xf32>
    %swap3A_493 = arith.constant 432 : index
    %swap3A_494 = tpu.vector_load %arg11[%swap3A_493] {strides = array<i32>} : memref<512xf32, #tpu.memory_space<vmem>>, vector<16xf32>,
    %swap3A_495 = vector.shape_cast %swap3A_494 : vector<16xf32> to vector<16xf32>
    %swap3A_496 = vector.shape_cast %add3A_492 : vector<16xf32> to vector<16xf32>
    tpu.vector_store %arg11[%swap3A_493], %swap3A_496 {strides = array<i32>} : memref<512xf32, #tpu.memory_space<vmem>>, vector<16xf32>,
    %get3A_497 = arith.constant 448 : index
    %get3A_498 = tpu.vector_load %arg9[%get3A_497] {strides = array<i32>} : memref<512xf32, #tpu.memory_space<vmem>>, vector<16xf32>,
    %get3A_499 = vector.shape_cast %get3A_498 : vector<16xf32> to vector<16xf32>
    %get3A_500 = arith.constant 448 : index
    %get3A_501 = tpu.vector_load %arg10[%get3A_500] {strides = array<i32>} : memref<512xf32, #tpu.memory_space<vmem>>, vector<16xf32>,
    %get3A_502 = vector.shape_cast %get3A_501 : vector<16xf32> to vector<16xf32>
    %add3A_503 = arith.addf %get3A_499, %get3A_502 : vector<16xf32>
    %add3A_504 = arith.addf %add3A_503, %get3A_161 : vector<16xf32>
    %swap3A_505 = arith.constant 448 : index
    %swap3A_506 = tpu.vector_load %arg11[%swap3A_505] {strides = array<i32>} : memref<512xf32, #tpu.memory_space<vmem>>, vector<16xf32>,
    %swap3A_507 = vector.shape_cast %swap3A_506 : vector<16xf32> to vector<16xf32>
    %swap3A_508 = vector.shape_cast %add3A_504 : vector<16xf32> to vector<16xf32>
    tpu.vector_store %arg11[%swap3A_505], %swap3A_508 {strides = array<i32>} : memref<512xf32, #tpu.memory_space<vmem>>, vector<16xf32>,
    %get3A_509 = arith.constant 464 : index
    %get3A_510 = tpu.vector_load %arg9[%get3A_509] {strides = array<i32>} : memref<512xf32, #tpu.memory_space<vmem>>, vector<16xf32>,
    %get3A_511 = vector.shape_cast %get3A_510 : vector<16xf32> to vector<16xf32>
    %get3A_512 = arith.constant 464 : index
    %get3A_513 = tpu.vector_load %arg10[%get3A_512] {strides = array<i32>} : memref<512xf32, #tpu.memory_space<vmem>>, vector<16xf32>,
    %get3A_514 = vector.shape_cast %get3A_513 : vector<16xf32> to vector<16xf32>
    %add3A_515 = arith.addf %get3A_511, %get3A_514 : vector<16xf32>
    %add3A_516 = arith.addf %add3A_515, %get3A_161 : vector<16xf32>
    %swap3A_517 = arith.constant 464 : index
    %swap3A_518 = tpu.vector_load %arg11[%swap3A_517] {strides = array<i32>} : memref<512xf32, #tpu.memory_space<vmem>>, vector<16xf32>,
    %swap3A_519 = vector.shape_cast %swap3A_518 : vector<16xf32> to vector<16xf32>
    %swap3A_520 = vector.shape_cast %add3A_516 : vector<16xf32> to vector<16xf32>
    tpu.vector_store %arg11[%swap3A_517], %swap3A_520 {strides = array<i32>} : memref<512xf32, #tpu.memory_space<vmem>>, vector<16xf32>,
    %get3A_521 = arith.constant 480 : index
    %get3A_522 = tpu.vector_load %arg9[%get3A_521] {strides = array<i32>} : memref<512xf32, #tpu.memory_space<vmem>>, vector<16xf32>,
    %get3A_523 = vector.shape_cast %get3A_522 : vector<16xf32> to vector<16xf32>
    %get3A_524 = arith.constant 480 : index
    %get3A_525 = tpu.vector_load %arg10[%get3A_524] {strides = array<i32>} : memref<512xf32, #tpu.memory_space<vmem>>, vector<16xf32>,
    %get3A_526 = vector.shape_cast %get3A_525 : vector<16xf32> to vector<16xf32>
    %add3A_527 = arith.addf %get3A_523, %get3A_526 : vector<16xf32>
    %add3A_528 = arith.addf %add3A_527, %get3A_161 : vector<16xf32>
    %swap3A_529 = arith.constant 480 : index
    %swap3A_530 = tpu.vector_load %arg11[%swap3A_529] {strides = array<i32>} : memref<512xf32, #tpu.memory_space<vmem>>, vector<16xf32>,
    %swap3A_531 = vector.shape_cast %swap3A_530 : vector<16xf32> to vector<16xf32>
    %swap3A_532 = vector.shape_cast %add3A_528 : vector<16xf32> to vector<16xf32>
    tpu.vector_store %arg11[%swap3A_529], %swap3A_532 {strides = array<i32>} : memref<512xf32, #tpu.memory_space<vmem>>, vector<16xf32>,
    %get3A_533 = arith.constant 496 : index
    %get3A_534 = tpu.vector_load %arg9[%get3A_533] {strides = array<i32>} : memref<512xf32, #tpu.memory_space<vmem>>, vector<16xf32>,
    %get3A_535 = vector.shape_cast %get3A_534 : vector<16xf32> to vector<16xf32>
    %get3A_536 = arith.constant 496 : index
    %get3A_537 = tpu.vector_load %arg10[%get3A_536] {strides = array<i32>} : memref<512xf32, #tpu.memory_space<vmem>>, vector<16xf32>,
    %get3A_538 = vector.shape_cast %get3A_537 : vector<16xf32> to vector<16xf32>
    %add3A_539 = arith.addf %get3A_535, %get3A_538 : vector<16xf32>
    %add3A_540 = arith.addf %add3A_539, %get3A_161 : vector<16xf32>
    %swap3A_541 = arith.constant 496 : index
    %swap3A_542 = tpu.vector_load %arg11[%swap3A_541] {strides = array<i32>} : memref<512xf32, #tpu.memory_space<vmem>>, vector<16xf32>,
    %swap3A_543 = vector.shape_cast %swap3A_542 : vector<16xf32> to vector<16xf32>
    %swap3A_544 = vector.shape_cast %add3A_540 : vector<16xf32> to vector<16xf32>
    tpu.vector_store %arg11[%swap3A_541], %swap3A_544 {strides = array<i32>} : memref<512xf32, #tpu.memory_space<vmem>>, vector<16xf32>,
    "tpu.region"() ({
      %run_scoped3A_545 = tpu.sem_alloc : memref<!tpu.dma_semaphore, #tpu.memory_space<semaphore_mem>>
      %dma_start3A_546 = tpu.memref_slice %arg6[%mul3A_2] : memref<16384xf32, #tpu.memory_space<hbm>> -> memref<512xf32, #tpu.memory_space<hbm>>
      %dma_start3A_547 = tpu.memref_slice %arg6[%mul3A_2] : memref<16384xf32, #tpu.memory_space<hbm>> -> memref<512xf32, #tpu.memory_space<hbm>>
      tpu.enqueue_dma source(%arg11 : memref<512xf32, #tpu.memory_space<vmem>>) target(%dma_start3A_547 : memref<512xf32, #tpu.memory_space<hbm>>) target_semaphore(%run_scoped3A_545 : memref<!tpu.dma_semaphore, #tpu.memory_space<semaphore_mem>>)
      %dma_wait3A_548 = tpu.memref_slice %arg6[%mul3A_2] : memref<16384xf32, #tpu.memory_space<hbm>> -> memref<512xf32, #tpu.memory_space<hbm>>
      %dma_wait3A_549 = tpu.memref_slice %arg6[%mul3A_2] : memref<16384xf32, #tpu.memory_space<hbm>> -> memref<512xf32, #tpu.memory_space<hbm>>
      tpu.wait_dma2 semaphore(%run_scoped3A_545 : memref<!tpu.dma_semaphore, #tpu.memory_space<semaphore_mem>>) src(%arg11 : memref<512xf32, #tpu.memory_space<vmem>>) dst(%dma_wait3A_549 : memref<512xf32, #tpu.memory_space<hbm>>)
      tpu.yield
    }) : () -> ()
    return
  }
}

module attributes {stable_mosaic.version = 14 : i64} {
  func.func @_tc_scan_body(%arg0: i32, %arg1: memref<64x16384xf32, #tpu.memory_space<vmem>>, %arg2: memref<64x16384xf32, #tpu.memory_space<vmem>>, %arg3: memref<2x64xf32, #tpu.memory_space<vmem>>, %arg4: memref<16384xf32, #tpu.memory_space<vmem>>, %arg5: memref<16384xf32, #tpu.memory_space<vmem>>) attributes {dimension_semantics = [#tpu.dimension_semantics<arbitrary>], iteration_bounds = array<i64: 62>, scalar_prefetch = 0 : i64, scratch_operands = 0 : i64, tpu.core_type = #tpu.core_type<tc>, window_params = [{transform_indices = @transform_0, window_bounds = array<i64: 64, 16384>}, {transform_indices = @transform_1, window_bounds = array<i64: 64, 16384>}, {pipeline_mode = #tpu.pipeline_mode<synchronous>, transform_indices = @transform_2, window_bounds = array<i64: 2, 64>}, {transform_indices = @transform_3, window_bounds = array<i64: 16384>}, {transform_indices = @transform_4, window_bounds = array<i64: 16384>}]} {
    %get3A = arith.constant 0 : index
    %get3A_0 = arith.constant 0 : index
    %get3A_1 = vector.load %arg3[%get3A, %get3A_0] : memref<2x64xf32, #tpu.memory_space<vmem>>, vector<2x64xf32>
    %get3A_2 = arith.constant 0 : index
    %get3A_3 = arith.constant 0 : index
    %get3A_4 = vector.load %arg1[%get3A_2, %get3A_3] : memref<64x16384xf32, #tpu.memory_space<vmem>>, vector<64x16384xf32>
    %dot_general3A = arith.constant dense<0.000000e+00> : vector<2x16384xf32>
    %dot_general3A_5 = tpu.matmul %get3A_1, %get3A_4, %dot_general3A {dimension_numbers = #tpu.dot_dimension_numbers<[1], [0], [0], [1], [0, 0, 1, 1], [], []>, transpose_lhs_hint = false} : vector<2x64xf32>, vector<64x16384xf32>, vector<2x16384xf32> -> vector<2x16384xf32>
    %get3A_6 = arith.constant 0 : index
    %get3A_7 = arith.constant 0 : index
    %get3A_8 = vector.load %arg2[%get3A_6, %get3A_7] : memref<64x16384xf32, #tpu.memory_space<vmem>>, vector<64x16384xf32>
    %dot_general3A_9 = arith.constant dense<0.000000e+00> : vector<2x16384xf32>
    %dot_general3A_10 = tpu.matmul %get3A_1, %get3A_8, %dot_general3A_9 {dimension_numbers = #tpu.dot_dimension_numbers<[1], [0], [0], [1], [0, 0, 1, 1], [], []>, transpose_lhs_hint = false} : vector<2x64xf32>, vector<64x16384xf32>, vector<2x16384xf32> -> vector<2x16384xf32>
    %slice3A = vector.extract_strided_slice %dot_general3A_5 {offsets = [0, 0], sizes = [1, 16384], strides = [1, 1]} : vector<2x16384xf32> to vector<1x16384xf32>
    %squeeze3A = vector.shape_cast %slice3A : vector<1x16384xf32> to vector<16384xf32>
    %swap3A = arith.constant 0 : index
    %swap3A_11 = vector.load %arg4[%swap3A] : memref<16384xf32, #tpu.memory_space<vmem>>, vector<16384xf32>
    tpu.vector_store %arg4[%swap3A], %squeeze3A {strides = array<i32>} : memref<16384xf32, #tpu.memory_space<vmem>>, vector<16384xf32>,
    %slice3A_12 = vector.extract_strided_slice %dot_general3A_10 {offsets = [1, 0], sizes = [1, 16384], strides = [1, 1]} : vector<2x16384xf32> to vector<1x16384xf32>
    %squeeze3A_13 = vector.shape_cast %slice3A_12 : vector<1x16384xf32> to vector<16384xf32>
    %swap3A_14 = arith.constant 0 : index
    %swap3A_15 = vector.load %arg5[%swap3A_14] : memref<16384xf32, #tpu.memory_space<vmem>>, vector<16384xf32>
    tpu.vector_store %arg5[%swap3A_14], %squeeze3A_13 {strides = array<i32>} : memref<16384xf32, #tpu.memory_space<vmem>>, vector<16384xf32>,
    return
  }
  func.func @transform_0(%arg0: i32) -> (i32, i32) {
    %c0_i32 = arith.constant 0 : i32
    %c0_i32_0 = arith.constant 0 : i32
    return %c0_i32, %arg0 : i32, i32
  }
  func.func @transform_1(%arg0: i32) -> (i32, i32) {
    %c0_i32 = arith.constant 0 : i32
    %c0_i32_0 = arith.constant 0 : i32
    return %c0_i32, %arg0 : i32, i32
  }
  func.func @transform_2(%arg0: i32) -> (i32, i32) {
    %c0_i32 = arith.constant 0 : i32
    %c0_i32_0 = arith.constant 0 : i32
    %c0_i32_1 = arith.constant 0 : i32
    return %c0_i32, %c0_i32_0 : i32, i32
  }
  func.func @transform_3(%arg0: i32) -> i32 {
    %c0_i32 = arith.constant 0 : i32
    return %arg0 : i32
  }
  func.func @transform_4(%arg0: i32) -> i32 {
    %c0_i32 = arith.constant 0 : i32
    return %arg0 : i32
  }
}

</mosaic_0001>

<sc_bundles>
// kernel: kernel.4.cloned.1.call-start
scs
__scs_entry_jumppad:
0x0: {  	(pc) =	sbr.rel $0x88, $3  }
0x1: {  	(tag) =	ssettag $0x0;
	lr =	simm.s32 $0x1  }
0x2: {  	[smem:$0x3F9C] =	sst lr;
	_ =	strace $0xD0000000  }
0x3: {  	_ = 	snop  }
0x4: {  	_ = 	snop  }
0x5: {  	_ = 	snop  }
0x6: {  	_ = 	snop  }
0x7: {  	_ = 	snop  }
__scs_overlays_trampoline_lowered:
0x8: {  	[smem:$0x3FAB] =	sst s0  }
0x9: {  	[smem:$0x3FAC] =	sst s1  }
0xa: {  	[smem:$0x3FAD] =	sst s2  }
0xb: {  	[smem:$0x3FAE] =	sst s3  }
0xc: {  	[smem:$0x3FAF] =	sst s4  }
0xd: {  	[smem:$0x3FB0] =	sst s5  }
0xe: {  	[smem:$0x3FB1] =	sst s6  }
0xf: {  	[smem:$0x3FB2] =	sst s7  }
0x10: {  	[smem:$0x3FB3] =	sst s8  }
0x11: {  	[smem:$0x3FB4] =	sst s9;
	s0 =	simm.s32 @!p0 $0x0  }
0x12: {  	s1 =	sld [smem:$0x3F9A];
	s0 =	simm.s32 @p0 $0x1  }
0x13: {  	[smem:$0x3FB5] =	sst s0;
	s0 =	simm.s32 @!p1 $0x0  }
0x14: {  	s2 =	sld [smem:$0x3F99];
	s0 =	simm.s32 @p1 $0x1  }
0x15: {  	[smem:$0x3FB6] =	sst s0;
	s0 =	simm.s32 @!p2 $0x0  }
0x16: {  	s3 =	sld [smem:$0x3FDB];
	s0 =	simm.s32 @p2 $0x1  }
0x17: {  	s4 =	simm.s32 $0x1BF5;
	[smem:$0x3FB8] =	sst s0  }
0x18: {  	s0 =	sld [smem:$0x3F9B];
	_ =	swait.ge [sflag:s4], $0x0  }
0x19: {  	s7 =	sld [smem:$0x3F9C]  }
0x1a: {  	s8 =	sadd.s32 $0xFFFFE003, lr  }
0x1b: {  	s9 =	sadd.s32 $0xFFFFFEF7, lr;
	s5 =	simm.s32 $0xFFFFFFFF;
	p2 =	slt.u32 s8, $0xFFFFF086  }
0x1c: {  	p1 =	slt.u32 s9, $0xF7A;
	s5 =	simm.s32 @!p2 $0x0  }
0x1d: {  	s5 =	simm.s32 @p1 $0x1;
	p0 =	seq.s32 s7, s2  }
0x1e: {  	s7 =	smul.u32 @!p0 $0xF7A, s2;
	p2 =	seq.s32 @!p0 s5, $0x0  }
0x1f: {  	s9 =	smul.u32 $0xF7A, s1;
	s8 =	simm.s32 @!p0 $0x1BF5;
	p2 =	por !p2, p0  }
0x20: {  	[sflag:s8] =	ssyncset.s32 @!p0 $0xFFFFF086;
	s6 =	sadd.s32 @!p0 s3, s7;
	s7 =	simm.s32 @!p0 $0x108  }
0x21: {  	s3 =	sadd.s32 s3, s9;
	s6 =	sadd.s32 @!p0 $0x88, s6;
	s7 =	simm.s32 @p2 $0x1082  }
0x22: {  	[simem:s7], [sflag:s8] =	dma.local @!p0 [hbm:s6], $0xF7A  }
0x23: {  	s9 =	sor.u32 $0xD0000000, s2;
	s6 =	simm.s32 $0x108;
	_ =	swait.ge @!p0 [sflag:s8], $0x0  }
0x24: {  	s3 =	sadd.s32 $0x88, s3;
	s6 =	simm.s32 @!p1 $0x1082;
	[sflag:s4] =	ssyncset.s32 $0xFFFFF086  }
0x25: {  	[simem:s6], [sflag:s4] =	dma.local [hbm:s3], $0xF7A  }
0x26: {  	[smem:$0x3F9C] =	sst s1;
	(tag) =	ssettag s2;
	_ =	strace s9  }
0x27: {  	s1 =	sld [smem:$0x3FAC]  }
0x28: {  	s2 =	sld [smem:$0x3FAD]  }
0x29: {  	s4 =	sld [smem:$0x3FAF]  }
0x2a: {  	p0 =	seq.s32 s5, $0x0;
	s5 =	sld [smem:$0x3FB0]  }
0x2b: {  	s6 =	sld [smem:$0x3FB1]  }
0x2c: {  	s7 =	sld [smem:$0x3FB2]  }
0x2d: {  	s3 =	simm.s32 $0x108;
	s8 =	sld [smem:$0x3FB3]  }
0x2e: {  	s3 =	simm.s32 @!p0 $0x1082;
	s9 =	sld [smem:$0x3FB4]  }
0x2f: {  	lr =	sadd.s32 s0, s3;
	s0 =	sld [smem:$0x3FAB]  }
0x30: {  	s3 =	sld [smem:$0x3FAE]  }
0x31: {  	[smem:$0x3FB7] =	sst s10  }
0x32: {  	s10 =	sld [smem:$0x3FB5];
	_ =	sdelay $0x3  }
0x33: {  	p0 =	seq.s32 s10, $0x1;
	s10 =	sld [smem:$0x3FB7];
	_ =	sdelay $0x3  }
0x34: {  	[smem:$0x3FB7] =	sst s10  }
0x35: {  	s10 =	sld [smem:$0x3FB6];
	_ =	sdelay $0x3  }
0x36: {  	p1 =	seq.s32 s10, $0x1;
	s10 =	sld [smem:$0x3FB7];
	_ =	sdelay $0x3  }
0x37: {  	[smem:$0x3FB7] =	sst s10  }
0x38: {  	s10 =	sld [smem:$0x3FB8]  }
0x39: {  	_ = 	snop;
	(pc) =	sbr.ind lr, $3  }
0x3a: {  	_ = 	snop  }
0x3b: {  	_ = 	snop  }
0x3c: {  	p2 =	seq.s32 s10, $0x1;
	s10 =	sld [smem:$0x3FB7]  }
0x3d: {  	_ =	shalt  }
0x3e: {  	_ =	shalt  }
0x3f: {  	_ =	shalt  }
0x40: {  	_ =	shalt  }
0x41: {  	_ =	shalt  }
0x42: {  	_ =	shalt  }
0x43: {  	_ =	shalt  }
0x44: {  	_ =	shalt  }
0x45: {  	_ =	shalt  }
0x46: {  	_ =	shalt  }
0x47: {  	_ =	shalt  }
0x48: {  	_ =	shalt  }
0x49: {  	_ =	shalt  }
0x4a: {  	_ =	shalt  }
0x4b: {  	_ =	shalt  }
0x4c: {  	_ =	shalt  }
0x4d: {  	_ =	shalt  }
0x4e: {  	_ =	shalt  }
0x4f: {  	_ =	shalt  }
0x50: {  	_ =	shalt  }
0x51: {  	_ =	shalt  }
0x52: {  	_ =	shalt  }
0x53: {  	_ =	shalt  }
0x54: {  	_ =	shalt  }
0x55: {  	_ =	shalt  }
0x56: {  	_ =	shalt  }
0x57: {  	_ =	shalt  }
0x58: {  	_ =	shalt  }
0x59: {  	_ =	shalt  }
0x5a: {  	_ =	shalt  }
0x5b: {  	_ =	shalt  }
0x5c: {  	_ =	shalt  }
0x5d: {  	_ =	shalt  }
0x5e: {  	_ =	shalt  }
0x5f: {  	_ =	shalt  }
0x60: {  	_ =	shalt  }
0x61: {  	_ =	shalt  }
0x62: {  	_ =	shalt  }
0x63: {  	_ =	shalt  }
0x64: {  	_ =	shalt  }
0x65: {  	_ =	shalt  }
0x66: {  	_ =	shalt  }
0x67: {  	_ =	shalt  }
0x68: {  	_ =	shalt  }
0x69: {  	_ =	shalt  }
0x6a: {  	_ =	shalt  }
0x6b: {  	_ =	shalt  }
0x6c: {  	_ =	shalt  }
0x6d: {  	_ =	shalt  }
0x6e: {  	_ =	shalt  }
0x6f: {  	_ =	shalt  }
0x70: {  	_ =	shalt  }
0x71: {  	_ =	shalt  }
0x72: {  	_ =	shalt  }
0x73: {  	_ =	shalt  }
0x74: {  	_ =	shalt  }
0x75: {  	_ =	shalt  }
0x76: {  	_ =	shalt  }
0x77: {  	_ =	shalt  }
0x78: {  	_ =	shalt  }
0x79: {  	_ =	shalt  }
0x7a: {  	_ =	shalt  }
0x7b: {  	_ =	shalt  }
0x7c: {  	_ =	shalt  }
0x7d: {  	_ =	shalt  }
0x7e: {  	_ =	shalt  }
0x7f: {  	_ =	shalt  }
0x80: {  	_ =	shalt  }
0x81: {  	_ =	shalt  }
0x82: {  	_ =	shalt  }
0x83: {  	_ =	shalt  }
0x84: {  	_ =	shalt  }
0x85: {  	_ =	shalt  }
0x86: {  	_ =	shalt  }
0x87: {  	_ =	shalt  }
.Lfunc_end0:
.L_simem_size_0:
called_computation_lowered:
.L_overlay_start_0:
0x88: {  	s2 =	sld [smem:$0x3FD9]  }
0x89: {  	s3 =	sld [smem:$0x3FFE];
	_ =	sdelay $0x1  }
0x8a: {  	s1 =	srdreg.scid  }
0x8b: {  	s0 =	sand.u32 $0x1, s1  }
0x8c: {  	s17 =	sshll.u32 s0, $0xA;
	s2 =	sadd.s32 s3, s2  }
0x8d: {  	s2 =	sadd.s32 s2, s17  }
0x8e: {  	[smem:$0x3FC3] =	sst s2  }
0x8f: {  	_ = 	snop  }
0x90: {  	s2 =	sld [smem:$0x3FD0];
	(tm) =	ssettm $0x1  }
0x91: {  	s18 =	sld [smem:$0x3FFB];
	_ =	sdelay $0x3  }
0x92: {  	_ =	strace s18  }
0x93: {  	s3 =	sld [smem:$0x3FFC];
	_ =	sdelay $0x3  }
0x94: {  	_ =	strace s3  }
0x95: {  	s3 =	sld [smem:$0x3FFD];
	_ =	sdelay $0x3  }
0x96: {  	_ =	strace s3  }
0x97: {  	_ =	strace $0x8FFFFFFF  }
0x98: {  	s19 =	sld [smem:$0x3FDB];
	_ =	sdelay $0x1  }
0x99: {  	s4 =	simm.s32 $_scs_section_size  }
0x9a: {  	s5 =	simm.s32 $_size__tile_overlayer_lowered;
	s6 =	simm.s32 $_tile_overlayer_lowered  }
0x9b: {  	s22 =	simm.s32 $0x1BFF;
	s21 =	sshll.u32 s6, $0x1;
	s3 =	sadd.s32 s4, s19  }
0x9c: {  	s7 =	simm.s32 $0x0;
	s20 =	sshll.u32 s5, $0x1;
	s5 =	sadd.s32 s21, s3  }
0x9d: {  	[timem:s7], [sflag:s22] =	dma.local [hbm:s5], s20  }
0x9e: {  	_ =	swait.ge [sflag:s22], s20  }
0x9f: {  	s4 =	ssub.s32 $0x0, s20;
	[sflag:s22] =	ssyncset.done $0x0  }
0xa0: {  	[sflag:s22] =	ssyncadd.s32 s4;
	_ =	sdelay $0x1  }
0xa1: {  	s23 =	simm.s32 $0x1B8B  }
0xa2: {  	_ =	swait.ge [sflag:s23], $0x1  }
0xa3: {  	[sflag:s23] =	ssyncset.done $0x0  }
0xa4: {  	s25 =	simm.s32 $0x1B8E;
	s24 =	sld [smem:$0x3FFE];
	[sflag:s23] =	ssyncadd.s32 $0xFFFFFFFF  }
0xa5: {  	s26 =	simm.s32 $execute0_lowered;
	[smem:$0x3FD2] =	sst s25  }
0xa6: {  	s5 =	sshll.u32 s26, $0x1;
	_ =	strace $0x80000046;
	[dreg:$0x1] =	wrdreg $0xFFFFFFFF  }
0xa7: {  	s28 =	simm.s32 $_size_execute0_lowered;
	s3 =	sadd.s32 s3, s5;
	[dreg:$0x0] =	wrdreg $0x0  }
0xa8: {  	s5 =	sshll.u32 s28, $0x1;
	[dreg:$0x2] =	wrdreg s3  }
0xa9: {  	[dreg:$0x3] =	wrdreg s5  }
0xaa: {  	[dreg:$0x4] =	wrdreg $0xC0  }
0xab: {  	_ =	task [dreg:s7], $0x5FFFF  }
0xac: {  	[dreg:$0x1] =	wrdreg $0xFFFFFFFF  }
0xad: {  	[dreg:$0x0] =	wrdreg $0x60  }
0xae: {  	[dreg:$0x2] =	wrdreg s24  }
0xaf: {  	[dreg:$0x3] =	wrdreg s2  }
0xb0: {  	[dreg:$0x4] =	wrdreg $0x9  }
0xb1: {  	_ =	task.clear_ibuf [dreg:s7], $0x5FFFF;
	_ =	strace $0x90000046  }
0xb2: {  	s29 =	simm.s32 $0x9;
	_ =	strace $0x80000048  }
0xb3: {  	_ =	swait.ge [sflag:s29], $0x1  }
0xb4: {  	[sflag:s29] =	ssyncadd.s32 $0xFFFFFFFF  }
0xb5: {  	_ =	strace $0x90000048  }
0xb6: {  	_ =	sfence  }
0xb7: {  	s30 =	sld [smem:$0x0];
	_ =	sdelay $0x2  }
0xb8: {  	s31 =	sshll.u32 s1, $0xD;
	s1 =	sshrl.u32 s1, $0x2  }
0xb9: {  	s3 =	sand.u32 $0x4000, s31;
	s1 =	sadd.s32 s1, s30  }
0xba: {  	s0 =	sor.u32 s3, s0;
	s1 =	sshll.u32 s1, $0x11  }
0xbb: {  	s0 =	sor.u32 s1, s0  }
0xbc: {  	s0 =	sadd.s32 $0x8F2B, s0  }
0xbd: {  	[sflag:s0] =	ssyncadd.remote.s32 $0x1  }
0xbe: {  	_ =	sfence.sel $0xFFFF  }
0xbf: {  	[dreg:$0x0] =	wrdreg $0xFFFFFFFF;
	(pc) =	sbr.abs _section_cstart, $3  }
0xc0: {  	[dreg:$0x1] =	wrdreg $0xFFFFFFFF  }
0xc1: {  	_ =	task.clear_ibuf [dreg:s7], $0x2FFFF;
	_ =	strace $0x9FFFFFFF  }
0xc2: {  	(tm) =	ssettm $0x7FFFFFFF  }
0xc3: {  	_ =	shalt  }
tec
execute0_lowered:
.L_overlay_start_1:
0x0: {  	(tag) =	ssettag $0x1  }
0x1: {  	s0 =	rddreg [dreg:$0x0]  }
0x2: {  	s11 =	rddreg [dreg:$0x1]  }
0x3: {  	s3 =	srdreg.scid;
	s2 =	simm.s32 $0x0;
	s1 =	stileid.u32  }
0x4: {  	s13 =	simm.s32 $0x2;
	s14 =	simm.s32 $0x200;
	s15 =	simm.s32 $0x80  }
0x5: {  	s16 =	simm.s32 $0x280;
	s17 =	simm.s32 $0x100;
	s18 =	simm.s32 $0x300  }
0x6: {  	s19 =	simm.s32 $0x180;
	s20 =	simm.s32 $0x380;
	s21 =	simm.s32 $0xA00  }
0x7: {  	s28 =	simm.s32 $0x700;
	s29 =	simm.s32 $0x580;
	s30 =	simm.s32 $0x780  }
0x8: {  	s31 =	simm.s32 $0x1;
	s4 =	sand.u32 $0x1, s3;
	[smem:$0x7FF] =	sst s2  }
0x9: {  	s22 =	sshll.u32 s1, $0x7;
	s3 =	sadd.s32 $0x1800, s0;
	s23 =	sadd.s32 $0x3EC00, s0  }
0xa: {  	s5 =	sshll.u32 s4, $0x6;
	_ =	strace $0x80000047;
	[dreg:$0x3] =	wrdreg s23  }
0xb: {  	s24 =	ssub.s32 $0x2, s4;
	s4 =	sadd.s32 $0x20200, s0;
	s23 =	simm.s32 $0x600  }
0xc: {  	s12 =	sor.u32 s5, s22;
	s6 =	sshrl.u32 s24, $0x1;
	s22 =	simm.s32 $0x400  }
0xd: {  	s10 =	sadd.s32 s12, s0;
	s26 =	ssub.s32 s24, s6;
	s11 =	sadd.s32 s11, s12  }
0xe: {  	s24 =	simm.s32 $0x480;
	s0 =	simm.s32 $0x800;
	s25 =	sadd.s32 $0x800, s10  }
0xf: {  	s7 =	sadd.s32 $0x1000, s10;
	s5 =	sadd.s32 $0x810, s10;
	s6 =	sadd.s32 $0x1010, s10  }
0x10: {  	s8 =	sadd.s32 $0x1020, s10;
	s9 =	sadd.s32 $0x830, s10;
	[dreg:$0x4] =	wrdreg s25  }
0x11: {  	s12 =	smax.u32 s26, $0x1;
	s26 =	simm.s32 $0x500;
	[dreg:$0x5] =	wrdreg s7  }
0x12: {  	s7 =	sadd.s32 $0x820, s10;
	s10 =	sadd.s32 $0x1030, s10;
	s25 =	simm.s32 $0x680  }
.LBB2_1:
0x13: {  	s1 =	rddreg [dreg:$0x4]  }
0x14: {  	[tilespmem:s2], [sflag:$0x2] =	stream.linear.gather [hbm4b:s1+s2], $0x80, $0x38;
	[tilespmem:$0xA10] =	vst v63  }
0x15: {  	_ =	swait.ge [sflag:s13], $0x80  }
0x16: {  	[sflag:s13] =	ssyncset.done $0x0  }
0x17: {  	s1 =	rddreg [dreg:$0x5];
	[sflag:s13] =	ssyncadd.s32 $0xFFFFFF80  }
0x18: {  	[tilespmem:s14], [sflag:$0x2] =	stream.linear.gather [hbm4b:s1+s2], $0x80, $0x38;
	[tilespmem:$0xA10] =	vst v63  }
0x19: {  	_ =	swait.ge [sflag:s13], $0x80  }
0x1a: {  	[sflag:s13] =	ssyncset.done $0x0  }
0x1b: {  	[sflag:s13] =	ssyncadd.s32 $0xFFFFFF80  }
0x1c: {  	[tilespmem:s15], [sflag:$0x2] =	stream.linear.gather [hbm4b:s5+s2], $0x80, $0x38;
	[tilespmem:$0xA10] =	vst v63  }
0x1d: {  	_ =	swait.ge [sflag:s13], $0x80  }
0x1e: {  	[sflag:s13] =	ssyncset.done $0x0  }
0x1f: {  	[sflag:s13] =	ssyncadd.s32 $0xFFFFFF80  }
0x20: {  	[tilespmem:s16], [sflag:$0x2] =	stream.linear.gather [hbm4b:s6+s2], $0x80, $0x38;
	[tilespmem:$0xA10] =	vst v63  }
0x21: {  	_ =	swait.ge [sflag:s13], $0x80  }
0x22: {  	[sflag:s13] =	ssyncset.done $0x0  }
0x23: {  	[sflag:s13] =	ssyncadd.s32 $0xFFFFFF80  }
0x24: {  	[tilespmem:s17], [sflag:$0x2] =	stream.linear.gather [hbm4b:s7+s2], $0x80, $0x38;
	[tilespmem:$0xA10] =	vst v63  }
0x25: {  	_ =	swait.ge [sflag:s13], $0x80  }
0x26: {  	[sflag:s13] =	ssyncset.done $0x0  }
0x27: {  	[sflag:s13] =	ssyncadd.s32 $0xFFFFFF80  }
0x28: {  	[tilespmem:s18], [sflag:$0x2] =	stream.linear.gather [hbm4b:s8+s2], $0x80, $0x38;
	[tilespmem:$0xA10] =	vst v63  }
0x29: {  	_ =	swait.ge [sflag:s13], $0x80  }
0x2a: {  	[sflag:s13] =	ssyncset.done $0x0  }
0x2b: {  	[sflag:s13] =	ssyncadd.s32 $0xFFFFFF80  }
0x2c: {  	[tilespmem:s19], [sflag:$0x2] =	stream.linear.gather [hbm4b:s9+s2], $0x80, $0x38;
	[tilespmem:$0xA10] =	vst v63  }
0x2d: {  	_ =	swait.ge [sflag:s13], $0x80  }
0x2e: {  	[sflag:s13] =	ssyncset.done $0x0  }
0x2f: {  	[sflag:s13] =	ssyncadd.s32 $0xFFFFFF80  }
0x30: {  	[tilespmem:s20], [sflag:$0x2] =	stream.linear.gather [hbm4b:s10+s2], $0x80, $0x38;
	[tilespmem:$0xA10] =	vst v63  }
0x31: {  	_ =	swait.ge [sflag:s13], $0x80  }
0x32: {  	[sflag:s13] =	ssyncset.done $0x0  }
0x33: {  	s1 =	rddreg [dreg:$0x3];
	[sflag:s13] =	ssyncadd.s32 $0xFFFFFF80  }
0x34: {  	[tilespmem:s21], [sflag:$0x2] =	stream.linear.gather [hbm4b:s1+s2], $0x10, $0x38;
	[tilespmem:$0xA10] =	vst v63  }
0x35: {  	_ =	swait.ge [sflag:s13], $0x10  }
0x36: {  	[sflag:s13] =	ssyncset.done $0x0  }
0x37: {  	[sflag:s13] =	ssyncadd.s32 $0xFFFFFFF0  }
0x38: {  	[tilespmem:s22], [sflag:$0x1] =	stream.indirect.gather [hbm4b:s3+s15], $0x1, s2, s15, $0xb8;
	[tilespmem:$0xA10] =	vst v63  }
0x39: {  	_ = 	snop  }
0x3a: {  	[tilespmem:s23], [sflag:$0x1] =	stream.indirect.gather [hbm4b:s4+s15], $0x1, s14, s15, $0xb8;
	[tilespmem:$0xA10] =	vst v63  }
0x3b: {  	_ = 	snop  }
0x3c: {  	[tilespmem:s24], [sflag:$0x1] =	stream.indirect.gather [hbm4b:s3+s15], $0x1, s15, s15, $0xb8;
	[tilespmem:$0xA10] =	vst v63  }
0x3d: {  	_ = 	snop  }
0x3e: {  	[tilespmem:s25], [sflag:$0x1] =	stream.indirect.gather [hbm4b:s4+s15], $0x1, s16, s15, $0xb8;
	[tilespmem:$0xA10] =	vst v63  }
0x3f: {  	_ = 	snop  }
0x40: {  	[tilespmem:s26], [sflag:$0x1] =	stream.indirect.gather [hbm4b:s3+s15], $0x1, s17, s15, $0xb8;
	[tilespmem:$0xA10] =	vst v63  }
0x41: {  	_ = 	snop  }
0x42: {  	[tilespmem:s28], [sflag:$0x1] =	stream.indirect.gather [hbm4b:s4+s15], $0x1, s18, s15, $0xb8;
	[tilespmem:$0xA10] =	vst v63  }
0x43: {  	_ = 	snop  }
0x44: {  	[tilespmem:s29], [sflag:$0x1] =	stream.indirect.gather [hbm4b:s3+s15], $0x1, s19, s15, $0xb8;
	[tilespmem:$0xA10] =	vst v63  }
0x45: {  	_ = 	snop  }
0x46: {  	[tilespmem:s30], [sflag:$0x1] =	stream.indirect.gather [hbm4b:s4+s15], $0x1, s20, s15, $0xb8;
	[tilespmem:$0xA10] =	vst v63  }
0x47: {  	_ =	swait.ge [sflag:s31], $0x80  }
0x48: {  	[sflag:s31] =	ssyncset.done $0x0  }
0x49: {  	[sflag:s31] =	ssyncadd.s32 $0xFFFFFF80  }
0x4a: {  	_ =	swait.ge [sflag:s31], $0x80  }
0x4b: {  	[sflag:s31] =	ssyncset.done $0x0  }
0x4c: {  	[sflag:s31] =	ssyncadd.s32 $0xFFFFFF80  }
0x4d: {  	_ =	swait.ge [sflag:s31], $0x80  }
0x4e: {  	[sflag:s31] =	ssyncset.done $0x0  }
0x4f: {  	[sflag:s31] =	ssyncadd.s32 $0xFFFFFF80  }
0x50: {  	_ =	swait.ge [sflag:s31], $0x80  }
0x51: {  	[sflag:s31] =	ssyncset.done $0x0  }
0x52: {  	[sflag:s31] =	ssyncadd.s32 $0xFFFFFF80  }
0x53: {  	_ =	swait.ge [sflag:s31], $0x80  }
0x54: {  	[sflag:s31] =	ssyncset.done $0x0  }
0x55: {  	[sflag:s31] =	ssyncadd.s32 $0xFFFFFF80  }
0x56: {  	_ =	swait.ge [sflag:s31], $0x80  }
0x57: {  	[sflag:s31] =	ssyncset.done $0x0  }
0x58: {  	[sflag:s31] =	ssyncadd.s32 $0xFFFFFF80  }
0x59: {  	_ =	swait.ge [sflag:s31], $0x80  }
0x5a: {  	[sflag:s31] =	ssyncset.done $0x0  }
0x5b: {  	[sflag:s31] =	ssyncadd.s32 $0xFFFFFF80  }
0x5c: {  	_ =	swait.ge [sflag:s31], $0x80  }
0x5d: {  	[sflag:s31] =	ssyncset.done $0x0  }
0x5e: {  	[sflag:s31] =	ssyncadd.s32 $0xFFFFFF80  }
0x5f: {  	v0 =	vld [tilespmem:$0xA00]  }
0x60: {  	v1 =	vld [tilespmem:$0x400]  }
0x61: {  	v2 =	vld [tilespmem:$0x600]  }
0x62: {  	v3 =	vld [tilespmem:$0x410]  }
0x63: {  	v4 =	vld [tilespmem:$0x610]  }
0x64: {  	v5 =	vld [tilespmem:$0x420]  }
0x65: {  	v6 =	vld [tilespmem:$0x620]  }
0x66: {  	v7 =	vld [tilespmem:$0x430]  }
0x67: {  	v8 =	vld [tilespmem:$0x630]  }
0x68: {  	v9 =	vld [tilespmem:$0x440]  }
0x69: {  	v10 =	vld [tilespmem:$0x640]  }
0x6a: {  	v11 =	vld [tilespmem:$0x450]  }
0x6b: {  	v12 =	vld [tilespmem:$0x650]  }
0x6c: {  	v13 =	vld [tilespmem:$0x460]  }
0x6d: {  	v14 =	vld [tilespmem:$0x660]  }
0x6e: {  	v15 =	vld [tilespmem:$0x470]  }
0x6f: {  	v16 =	vld [tilespmem:$0x670]  }
0x70: {  	v17 =	vld [tilespmem:$0x480]  }
0x71: {  	v18 =	vld [tilespmem:$0x680]  }
0x72: {  	v19 =	vld [tilespmem:$0x490]  }
0x73: {  	v20 =	vld [tilespmem:$0x690]  }
0x74: {  	v21 =	vld [tilespmem:$0x4A0]  }
0x75: {  	v22 =	vld [tilespmem:$0x6A0]  }
0x76: {  	v23 =	vld [tilespmem:$0x4B0]  }
0x77: {  	v24 =	vld [tilespmem:$0x6B0]  }
0x78: {  	v25 =	vld [tilespmem:$0x4C0]  }
0x79: {  	v26 =	vld [tilespmem:$0x6C0]  }
0x7a: {  	v27 =	vld [tilespmem:$0x4D0]  }
0x7b: {  	v28 =	vld [tilespmem:$0x6D0]  }
0x7c: {  	v29 =	vld [tilespmem:$0x4E0]  }
0x7d: {  	v30 =	vld [tilespmem:$0x6E0]  }
0x7e: {  	v31 =	vld [tilespmem:$0x4F0]  }
0x7f: {  	v32 =	vld [tilespmem:$0x6F0]  }
0x80: {  	v33 =	vld [tilespmem:$0x500]  }
0x81: {  	v34 =	vld [tilespmem:$0x700]  }
0x82: {  	v35 =	vld [tilespmem:$0x510]  }
0x83: {  	v36 =	vld [tilespmem:$0x710]  }
0x84: {  	v37 =	vld [tilespmem:$0x520]  }
0x85: {  	v45 =	vld [tilespmem:$0x760];
	v1 =	vadd.f32 v2, v1;
	v3 =	vadd.f32 v4, v3  }
0x86: {  	v48 =	vld [tilespmem:$0x570];
	v5 =	vadd.f32 v6, v5;
	v7 =	vadd.f32 v8, v7  }
0x87: {  	v51 =	vld [tilespmem:$0x770];
	v62 =	vadd.f32 v10, v9;
	v1 =	vadd.f32 v1, v0  }
0x88: {  	v54 =	vld [tilespmem:$0x580];
	v38 =	vadd.f32 v12, v11;
	v3 =	vadd.f32 v3, v0  }
0x89: {  	v57 =	vld [tilespmem:$0x780];
	v40 =	vadd.f32 v14, v13;
	v61 =	vadd.f32 v5, v0;
	[tilespmem:$0x800] =	vst v1  }
0x8a: {  	v60 =	vld [tilespmem:$0x590];
	v42 =	vadd.f32 v16, v15;
	v63 =	vadd.f32 v7, v0;
	[tilespmem:$0x810] =	vst v3  }
0x8b: {  	v2 =	vld [tilespmem:$0x720];
	v44 =	vadd.f32 v18, v17;
	v39 =	vadd.f32 v62, v0;
	[tilespmem:$0x820] =	vst v61  }
0x8c: {  	v4 =	vld [tilespmem:$0x530];
	v47 =	vadd.f32 v20, v19;
	v41 =	vadd.f32 v38, v0;
	[tilespmem:$0x830] =	vst v63  }
0x8d: {  	v6 =	vld [tilespmem:$0x730];
	v50 =	vadd.f32 v22, v21;
	v43 =	vadd.f32 v40, v0;
	[tilespmem:$0x840] =	vst v39  }
0x8e: {  	v8 =	vld [tilespmem:$0x540];
	v53 =	vadd.f32 v24, v23;
	v46 =	vadd.f32 v42, v0;
	[tilespmem:$0x850] =	vst v41  }
0x8f: {  	v9 =	vld [tilespmem:$0x740];
	v56 =	vadd.f32 v26, v25;
	v49 =	vadd.f32 v44, v0;
	[tilespmem:$0x860] =	vst v43  }
0x90: {  	v10 =	vld [tilespmem:$0x550];
	v59 =	vadd.f32 v28, v27;
	v52 =	vadd.f32 v47, v0;
	[tilespmem:$0x870] =	vst v46  }
0x91: {  	v11 =	vld [tilespmem:$0x750];
	v25 =	vadd.f32 v32, v31;
	v55 =	vadd.f32 v50, v0;
	[tilespmem:$0x880] =	vst v49  }
0x92: {  	v12 =	vld [tilespmem:$0x560];
	v28 =	vadd.f32 v34, v33;
	v58 =	vadd.f32 v53, v0;
	[tilespmem:$0x890] =	vst v52  }
0x93: {  	v26 =	vld [tilespmem:$0x5A0];
	v31 =	vadd.f32 v36, v35;
	v24 =	vadd.f32 v59, v0;
	[tilespmem:$0x8A0] =	vst v55  }
0x94: {  	v32 =	vld [tilespmem:$0x5B0];
	v62 =	vadd.f32 v30, v29;
	v30 =	vadd.f32 v25, v0;
	[tilespmem:$0x8B0] =	vst v58  }
0x95: {  	v34 =	vld [tilespmem:$0x7B0];
	v33 =	vadd.f32 v28, v0;
	[tilespmem:$0x8D0] =	vst v24  }
0x96: {  	v36 =	vld [tilespmem:$0x5C0];
	v35 =	vadd.f32 v31, v0;
	[tilespmem:$0x8F0] =	vst v30  }
0x97: {  	v29 =	vld [tilespmem:$0x7A0];
	v47 =	vadd.f32 v51, v48;
	v61 =	vadd.f32 v56, v0;
	[tilespmem:$0x900] =	vst v33  }
0x98: {  	v42 =	vld [tilespmem:$0x5D0];
	v50 =	vadd.f32 v57, v54;
	v27 =	vadd.f32 v62, v0;
	[tilespmem:$0x910] =	vst v35  }
0x99: {  	v48 =	vld [tilespmem:$0x5E0];
	v52 =	vadd.f32 v47, v0;
	v2 =	vadd.f32 v2, v37;
	[tilespmem:$0x8C0] =	vst v61  }
0x9a: {  	v51 =	vld [tilespmem:$0x7E0];
	v55 =	vadd.f32 v50, v0;
	v4 =	vadd.f32 v6, v4;
	[tilespmem:$0x8E0] =	vst v27  }
0x9b: {  	v54 =	vld [tilespmem:$0x5F0];
	v38 =	vadd.f32 v9, v8;
	[tilespmem:$0x970] =	vst v52;
	v37 =	vadd.f32 v2, v0  }
0x9c: {  	v63 =	vld [tilespmem:$0x790];
	v41 =	vadd.f32 v11, v10;
	[tilespmem:$0x980] =	vst v55;
	v40 =	vadd.f32 v4, v0  }
0x9d: {  	v39 =	vld [tilespmem:$0x7C0];
	v44 =	vadd.f32 v45, v12;
	v43 =	vadd.f32 v38, v0;
	[tilespmem:$0x920] =	vst v37  }
0x9e: {  	v45 =	vld [tilespmem:$0x7D0];
	v58 =	vadd.f32 v34, v32;
	v46 =	vadd.f32 v41, v0;
	[tilespmem:$0x930] =	vst v40  }
0x9f: {  	v57 =	vld [tilespmem:$0x7F0];
	v49 =	vadd.f32 v44, v0;
	v56 =	vadd.f32 v29, v26;
	[tilespmem:$0x940] =	vst v43  }
0xa0: {  	v3 =	vadd.f32 v58, v0;
	v61 =	vadd.f32 v51, v48;
	[tilespmem:$0x950] =	vst v46  }
0xa1: {  	v53 =	vadd.f32 v63, v60;
	[tilespmem:$0x960] =	vst v49;
	v2 =	vadd.f32 v56, v0  }
0xa2: {  	v59 =	vadd.f32 v39, v36;
	[tilespmem:$0x9B0] =	vst v3;
	v63 =	vadd.f32 v61, v0  }
0xa3: {  	v60 =	vadd.f32 v45, v42;
	v4 =	vadd.f32 v53, v0;
	[tilespmem:$0x9A0] =	vst v2  }
0xa4: {  	v62 =	vadd.f32 v57, v54;
	v1 =	vadd.f32 v59, v0;
	[tilespmem:$0x9E0] =	vst v63  }
0xa5: {  	[tilespmem:$0x990] =	vst v4;
	v4 =	vadd.f32 v60, v0  }
0xa6: {  	[tilespmem:$0x9C0] =	vst v1;
	v0 =	vadd.f32 v62, v0  }
0xa7: {  	p0 =	sne.s32 s12, $0x1;
	[tilespmem:$0x9D0] =	vst v4  }
.Ltmp0:
0xa8: {  	[tilespmem:$0x9F0] =	vst v0;
	(pc) =	sbr.rel @p0 .LBB2_1-.Ltmp0, $4  }
0xa9: {  	[hbm4b:s11+s2] =	stream.linear.scatter [tilespmem:s0], [sflag:$0x2], $0x200, $0x38;
	[tilespmem:$0xA10] =	vst v63  }
0xaa: {  	_ =	swait.ge [sflag:s13], $0x200  }
0xab: {  	[sflag:s13] =	ssyncset.done $0x0  }
0xac: {  	s12 =	sadd.s32 $0xFFFFFFFF, s12;
	[sflag:s13] =	ssyncadd.s32 $0xFFFFFE00  }
0xad: {  	_ =	sfence.sel $0x180000  }
0xae: {  	[bflag:$0x0] =	sbarrier.arrive $0xFFFF  }
0xaf: {  	_ =	strace $0x90000047  }
0xb0: {  	s0 =	stileid.u32;
	[bflag:$0x2] =	sbarrier.arrive $0xFFFF  }
0xb1: {  	p0 =	sne.s32 s0, $0x0;
	s0 =	rddreg [dreg:$0x2]  }
0xb2: {  	s0 =	sadd.s32 @!p0 $0x100000, s0  }
0xb3: {  	[sflag:s0] =	ssyncadd.tile.s32 @!p0 $0x1;
	_ =	shalt  }
.Lfunc_end2:
_tile_overlayer_lowered:
.L_overlay_start_2:
0xb4: {  	(tag) =	ssettag $0x2  }
0xb5: {  	s0 =	rddreg [dreg:$0x0];
	s2 =	stileid.u32  }
0xb6: {  	s1 =	rddreg [dreg:$0x1];
	p0 =	sne.s32 s2, $0x0  }
0xb7: {  	s3 =	rddreg [dreg:$0x2];
	[bflag:$0x3] =	sbarrier.arrive $0xFFFF;
	s2 =	simm.s32 @!p0 $0x1C02  }
0xb8: {  	[timem:s3], [sflag:s2] =	dma.local @!p0 [hbm:s0], s1  }
0xb9: {  	s0 =	simm.s32 @!p0 $0x2  }
0xba: {  	_ =	swait.ge @!p0 [sflag:s0], s1  }
0xbb: {  	s1 =	ssub.s32 @!p0 $0x0, s1;
	[sflag:s0] =	ssyncset.done @!p0 $0x0  }
0xbc: {  	[sflag:s0] =	ssyncadd.s32 @!p0 s1  }
0xbd: {  	[bflag:$0x3] =	sbarrier.arrive $0xFFFF  }
0xbe: {  	_ =	shalt  }

</sc_bundles>
